<compile_context>
chip_gen: v7x
topology: tpu7x:2x2x1
jax: 0.10.2.dev20260603
libtpu: 0.0.44.dev20260713+nightly
codegen_flags: <defaults>
</compile_context>

<pallas_src>
import jax
import jax.numpy as jnp
from jax import lax
from jax.experimental import pallas as pl
from jax.experimental.pallas import tpu as pltpu
from jax.experimental.pallas import tpu_sc as plsc

D_MODEL = 512
NC = 2
NS = 16
NW = NC * NS
SBLK = 64
S1 = 1536
NB1 = S1 // SBLK
TPAD = 512
NPW = TPAD // NW
NTP = 192
LC = D_MODEL // 16


def _make_sc_body(nx):
    def body(tab_h, i0_h, i1_h, i2_h, ope, tabl, iv, peb, sem):
        wid = lax.axis_index("s") * NC + lax.axis_index("c")
        base = S1 + wid * NPW
        ct = pltpu.async_copy(tab_h, tabl, sem)
        c0 = pltpu.async_copy(i0_h.at[pl.ds(base, NPW)],
                              iv.at[pl.ds(0, NPW)], sem)
        c1 = pltpu.async_copy(i1_h.at[pl.ds(base, NPW)],
                              iv.at[pl.ds(NPW, NPW)], sem)
        c2 = pltpu.async_copy(i2_h.at[pl.ds(base, NPW)],
                              iv.at[pl.ds(2 * NPW, NPW)], sem)
        ct.wait()
        c0.wait()
        c1.wait()
        c2.wait()

        def _tok(t, carry):
            a0 = iv[pl.ds(t, 1)][0] * D_MODEL
            a1 = (iv[pl.ds(NPW + t, 1)][0] + nx) * D_MODEL
            a2 = (iv[pl.ds(2 * NPW + t, 1)][0] + 2 * nx) * D_MODEL
            b = t * D_MODEL
            for j in range(LC):
                o = j * 16
                peb[pl.ds(b + o, 16)] = (tabl[pl.ds(a0 + o, 16)]
                                         + tabl[pl.ds(a1 + o, 16)]
                                         + tabl[pl.ds(a2 + o, 16)])
            return carry

        lax.fori_loop(0, NPW, _tok, 0)
        pltpu.sync_copy(peb, ope.at[pl.ds(wid * NPW * D_MODEL,
                                          NPW * D_MODEL)])

    return body


def _sc_pe(tab_flat, i0, i1, i2, nx):
    mesh = plsc.VectorSubcoreMesh(core_axis_name="c", subcore_axis_name="s")
    f = pl.kernel(
        _make_sc_body(nx),
        mesh=mesh,
        out_type=jax.ShapeDtypeStruct((TPAD * D_MODEL,), jnp.float32),
        scratch_types=[
            pltpu.VMEM((NTP * D_MODEL,), jnp.float32),
            pltpu.VMEM((3 * NPW,), jnp.int32),
            pltpu.VMEM((NPW * D_MODEL,), jnp.float32),
            pltpu.SemaphoreType.DMA,
        ],
    )
    return f(tab_flat, i0, i1, i2)


def _make_tc1_body(nx):
    def body(x_ref, idx_ref, tab_ref, o_ref):
        r = lax.broadcasted_iota(jnp.int32, (SBLK, NTP), 1)
        m = (((idx_ref[0, 0, :][:, None]) == r).astype(jnp.float32)
             + ((idx_ref[0, 1, :][:, None] + nx) == r).astype(jnp.float32)
             + ((idx_ref[0, 2, :][:, None] + 2 * nx) == r).astype(jnp.float32))
        pe = jnp.dot(m, tab_ref[...], preferred_element_type=jnp.float32,
                     precision=lax.Precision.HIGHEST)
        o_ref[...] = x_ref[...] + pe[:, None, :]

    return body


def _tc2_body(x_ref, pe_ref, o1_ref, o_ref):
    del o1_ref
    o_ref[...] = x_ref[...] + pe_ref[...][:, None, :]


def kernel(x, pos_x, pos_y, stab, token_to_x, token_to_y, token_to_stab):
    B, S, DM = x.shape
    nx = pos_x.shape[0]
    tpad = S1 + TPAD - S
    i0 = jnp.pad(token_to_x[:S].astype(jnp.int32), (0, tpad))
    i1 = jnp.pad(token_to_y[:S].astype(jnp.int32), (0, tpad))
    i2 = jnp.pad(token_to_stab[:S].astype(jnp.int32), (0, tpad))
    tab = jnp.concatenate([pos_x, pos_y, stab], axis=0)
    tabp = jnp.pad(tab, ((0, NTP - tab.shape[0]), (0, 0)))

    pe_tail = _sc_pe(tabp.reshape(-1), i0, i1, i2, nx).reshape(TPAD, DM)

    idx_head = jnp.stack(
        [i0[:S1].reshape(NB1, SBLK),
         i1[:S1].reshape(NB1, SBLK),
         i2[:S1].reshape(NB1, SBLK)], axis=1)
    xt = jnp.transpose(x, (1, 0, 2))

    o1 = pl.pallas_call(
        _make_tc1_body(nx),
        grid=(NB1,),
        in_specs=[
            pl.BlockSpec((SBLK, B, DM), lambda s: (s, 0, 0)),
            pl.BlockSpec((1, 3, SBLK), lambda s: (s, 0, 0)),
            pl.BlockSpec((NTP, DM), lambda s: (0, 0)),
        ],
        out_specs=pl.BlockSpec((SBLK, B, DM), lambda s: (s, 0, 0)),
        out_shape=jax.ShapeDtypeStruct((S, B, DM), x.dtype),
    )(xt, idx_head, tabp)

    nb2 = pl.cdiv(S - S1, SBLK)
    out_t = pl.pallas_call(
        _tc2_body,
        grid=(nb2,),
        in_specs=[
            pl.BlockSpec((SBLK, B, DM), lambda s: (s + NB1, 0, 0)),
            pl.BlockSpec((SBLK, DM), lambda s: (s, 0)),
            pl.BlockSpec(memory_space=pl.ANY),
        ],
        out_specs=pl.BlockSpec((SBLK, B, DM), lambda s: (s + NB1, 0, 0)),
        out_shape=jax.ShapeDtypeStruct((S, B, DM), x.dtype),
        input_output_aliases={2: 0},
    )(xt, pe_tail, o1)
    return jnp.transpose(out_t, (1, 0, 2))

# --- scband reference (transcript-rebuilt; emitter-appended) ---
"""Pipeline reference for scband-learnable-positional-encoding2-d-89661737271857 (READ-ONLY COPY).

The authoritative reference and input builder live on the scoring server;
editing this copy changes nothing except your own understanding.
"""

import jax, jax.numpy as jnp
import numpy as np

D = 45
D_MODEL = 512
BATCH = 32
SEQ = D * D + 1


def build_tables(d):
    n = d * d + 1
    tx = np.zeros(n, dtype=np.int64)
    ty = np.zeros(n, dtype=np.int64)
    ts = np.zeros(n, dtype=np.int64)
    z_idx = 0
    x_idx = (d * d - 1) // 2
    ts[:x_idx] = 0
    ts[x_idx:-2] = 1
    for x in range(2, 2 * d, 4):
        tx[x_idx] = x
        ty[x_idx] = 0
        x_idx += 1
    for y in range(2, 2 * d, 2):
        yi = y % 4
        xs = range(yi, 2 * d + yi // 2, 2)
        for i, x in enumerate(xs):
            if i % 2 == 0:
                tx[z_idx] = x
                ty[z_idx] = y
                z_idx += 1
            else:
                tx[x_idx] = x
                ty[x_idx] = y
                x_idx += 1
    for x in range(4, 2 * d, 4):
        tx[x_idx] = x
        ty[x_idx] = 2 * d
        x_idx += 1
    tx[-2] = d
    ty[-2] = d
    ts[-2] = 1
    tx[-1] = d
    ty[-1] = d
    ts[-1] = 0
    return tx, ty, ts


def setup_inputs(seed: int = 0):
    key = jax.random.key(seed)
    k1, k2, k3, k4 = jax.random.split(key, 4)
    x = jax.random.normal(k1, (BATCH, SEQ, D_MODEL), dtype=jnp.float32)
    pos_x = jax.random.normal(k2, (2 * D + 1, D_MODEL), dtype=jnp.float32)
    pos_y = jax.random.normal(k3, (2 * D + 1, D_MODEL), dtype=jnp.float32)
    stab = jax.random.normal(k4, (2, D_MODEL), dtype=jnp.float32)
    tx, ty, ts = build_tables(D)
    return {
        "x": x,
        "pos_x": pos_x,
        "pos_y": pos_y,
        "stab": stab,
        "token_to_x": jnp.asarray(tx),
        "token_to_y": jnp.asarray(ty),
        "token_to_stab": jnp.asarray(ts),
    }


def reference(x, pos_x, pos_y, stab, token_to_x, token_to_y, token_to_stab):
    S = x.shape[1]
    pe = (jnp.take(pos_x, token_to_x[:S], axis=0)
          + jnp.take(pos_y, token_to_y[:S], axis=0)
          + jnp.take(stab, token_to_stab[:S], axis=0))
    return x + pe[None, :, :]

if __name__ == "__main__":
    import jax
    _d = setup_inputs()
    print(jax.jit(kernel)(*tuple(_d.values())))

</pallas_src>

<mosaic_0001>
#map = affine_map<(d0, d1) -> (0)>
module attributes {stable_mosaic.version = 14 : i64} {
  func.func @body(%arg0: i32, %arg1: i32, %arg2: memref<98304xf32, #tpu.memory_space<hbm>>, %arg3: memref<2048xi32, #tpu.memory_space<hbm>>, %arg4: memref<2048xi32, #tpu.memory_space<hbm>>, %arg5: memref<2048xi32, #tpu.memory_space<hbm>>, %arg6: memref<262144xf32, #tpu.memory_space<hbm>>, %arg7: memref<98304xf32, #tpu.memory_space<vmem>>, %arg8: memref<48xi32, #tpu.memory_space<vmem>>, %arg9: memref<8192xf32, #tpu.memory_space<vmem>>, %arg10: memref<!tpu.dma_semaphore, #tpu.memory_space<semaphore_mem>>) attributes {dimension_semantics = [#tpu.dimension_semantics<core_parallel>, #tpu.dimension_semantics<subcore_parallel>], iteration_bounds = array<i64: 2, 16>, scalar_prefetch = 0 : i64, scratch_operands = 4 : i64, tpu.core_type = #tpu.core_type<sc_vector_subcore>, window_params = [{transform_indices = #map}, {transform_indices = #map}, {transform_indices = #map}, {transform_indices = #map}, {transform_indices = #map}]} {
    %mul3A = arith.constant 2 : i32
    %mul3A_0 = arith.muli %arg1, %mul3A : i32
    %add3A = arith.addi %mul3A_0, %arg0 : i32
    %mul3A_1 = arith.constant 16 : i32
    %mul3A_2 = arith.muli %add3A, %mul3A_1 : i32
    %add3A_3 = arith.constant 1536 : i32
    %add3A_4 = arith.addi %add3A_3, %mul3A_2 : i32
    tpu.enqueue_dma source(%arg2 : memref<98304xf32, #tpu.memory_space<hbm>>) target(%arg7 : memref<98304xf32, #tpu.memory_space<vmem>>) target_semaphore(%arg10 : memref<!tpu.dma_semaphore, #tpu.memory_space<semaphore_mem>>)
    %dma_start3A = arith.constant 0 : i32
    %dma_start3A_5 = tpu.memref_slice %arg8[%dma_start3A] : memref<48xi32, #tpu.memory_space<vmem>> -> memref<16xi32, #tpu.memory_space<vmem>>
    %dma_start3A_6 = tpu.memref_slice %arg3[%add3A_4] : memref<2048xi32, #tpu.memory_space<hbm>> -> memref<16xi32, #tpu.memory_space<hbm>>
    %dma_start3A_7 = arith.constant 0 : i32
    %dma_start3A_8 = tpu.memref_slice %arg8[%dma_start3A_7] : memref<48xi32, #tpu.memory_space<vmem>> -> memref<16xi32, #tpu.memory_space<vmem>>
    %dma_start3A_9 = tpu.memref_slice %arg3[%add3A_4] : memref<2048xi32, #tpu.memory_space<hbm>> -> memref<16xi32, #tpu.memory_space<hbm>>
    tpu.enqueue_dma source(%dma_start3A_9 : memref<16xi32, #tpu.memory_space<hbm>>) target(%dma_start3A_8 : memref<16xi32, #tpu.memory_space<vmem>>) target_semaphore(%arg10 : memref<!tpu.dma_semaphore, #tpu.memory_space<semaphore_mem>>)
    %dma_start3A_10 = arith.constant 16 : i32
    %dma_start3A_11 = tpu.memref_slice %arg8[%dma_start3A_10] : memref<48xi32, #tpu.memory_space<vmem>> -> memref<16xi32, #tpu.memory_space<vmem>>
    %dma_start3A_12 = tpu.memref_slice %arg4[%add3A_4] : memref<2048xi32, #tpu.memory_space<hbm>> -> memref<16xi32, #tpu.memory_space<hbm>>
    %dma_start3A_13 = arith.constant 16 : i32
    %dma_start3A_14 = tpu.memref_slice %arg8[%dma_start3A_13] : memref<48xi32, #tpu.memory_space<vmem>> -> memref<16xi32, #tpu.memory_space<vmem>>
    %dma_start3A_15 = tpu.memref_slice %arg4[%add3A_4] : memref<2048xi32, #tpu.memory_space<hbm>> -> memref<16xi32, #tpu.memory_space<hbm>>
    tpu.enqueue_dma source(%dma_start3A_15 : memref<16xi32, #tpu.memory_space<hbm>>) target(%dma_start3A_14 : memref<16xi32, #tpu.memory_space<vmem>>) target_semaphore(%arg10 : memref<!tpu.dma_semaphore, #tpu.memory_space<semaphore_mem>>)
    %dma_start3A_16 = arith.constant 32 : i32
    %dma_start3A_17 = tpu.memref_slice %arg8[%dma_start3A_16] : memref<48xi32, #tpu.memory_space<vmem>> -> memref<16xi32, #tpu.memory_space<vmem>>
    %dma_start3A_18 = tpu.memref_slice %arg5[%add3A_4] : memref<2048xi32, #tpu.memory_space<hbm>> -> memref<16xi32, #tpu.memory_space<hbm>>
    %dma_start3A_19 = arith.constant 32 : i32
    %dma_start3A_20 = tpu.memref_slice %arg8[%dma_start3A_19] : memref<48xi32, #tpu.memory_space<vmem>> -> memref<16xi32, #tpu.memory_space<vmem>>
    %dma_start3A_21 = tpu.memref_slice %arg5[%add3A_4] : memref<2048xi32, #tpu.memory_space<hbm>> -> memref<16xi32, #tpu.memory_space<hbm>>
    tpu.enqueue_dma source(%dma_start3A_21 : memref<16xi32, #tpu.memory_space<hbm>>) target(%dma_start3A_20 : memref<16xi32, #tpu.memory_space<vmem>>) target_semaphore(%arg10 : memref<!tpu.dma_semaphore, #tpu.memory_space<semaphore_mem>>)
    tpu.wait_dma2 semaphore(%arg10 : memref<!tpu.dma_semaphore, #tpu.memory_space<semaphore_mem>>) src(%arg2 : memref<98304xf32, #tpu.memory_space<hbm>>) dst(%arg7 : memref<98304xf32, #tpu.memory_space<vmem>>)
    %dma_wait3A = arith.constant 0 : i32
    %dma_wait3A_22 = tpu.memref_slice %arg8[%dma_wait3A] : memref<48xi32, #tpu.memory_space<vmem>> -> memref<16xi32, #tpu.memory_space<vmem>>
    %dma_wait3A_23 = tpu.memref_slice %arg3[%add3A_4] : memref<2048xi32, #tpu.memory_space<hbm>> -> memref<16xi32, #tpu.memory_space<hbm>>
    %dma_wait3A_24 = arith.constant 0 : i32
    %dma_wait3A_25 = tpu.memref_slice %arg8[%dma_wait3A_24] : memref<48xi32, #tpu.memory_space<vmem>> -> memref<16xi32, #tpu.memory_space<vmem>>
    %dma_wait3A_26 = tpu.memref_slice %arg3[%add3A_4] : memref<2048xi32, #tpu.memory_space<hbm>> -> memref<16xi32, #tpu.memory_space<hbm>>
    tpu.wait_dma2 semaphore(%arg10 : memref<!tpu.dma_semaphore, #tpu.memory_space<semaphore_mem>>) src(%dma_wait3A_26 : memref<16xi32, #tpu.memory_space<hbm>>) dst(%dma_wait3A_25 : memref<16xi32, #tpu.memory_space<vmem>>)
    %dma_wait3A_27 = arith.constant 16 : i32
    %dma_wait3A_28 = tpu.memref_slice %arg8[%dma_wait3A_27] : memref<48xi32, #tpu.memory_space<vmem>> -> memref<16xi32, #tpu.memory_space<vmem>>
    %dma_wait3A_29 = tpu.memref_slice %arg4[%add3A_4] : memref<2048xi32, #tpu.memory_space<hbm>> -> memref<16xi32, #tpu.memory_space<hbm>>
    %dma_wait3A_30 = arith.constant 16 : i32
    %dma_wait3A_31 = tpu.memref_slice %arg8[%dma_wait3A_30] : memref<48xi32, #tpu.memory_space<vmem>> -> memref<16xi32, #tpu.memory_space<vmem>>
    %dma_wait3A_32 = tpu.memref_slice %arg4[%add3A_4] : memref<2048xi32, #tpu.memory_space<hbm>> -> memref<16xi32, #tpu.memory_space<hbm>>
    tpu.wait_dma2 semaphore(%arg10 : memref<!tpu.dma_semaphore, #tpu.memory_space<semaphore_mem>>) src(%dma_wait3A_32 : memref<16xi32, #tpu.memory_space<hbm>>) dst(%dma_wait3A_31 : memref<16xi32, #tpu.memory_space<vmem>>)
    %dma_wait3A_33 = arith.constant 32 : i32
    %dma_wait3A_34 = tpu.memref_slice %arg8[%dma_wait3A_33] : memref<48xi32, #tpu.memory_space<vmem>> -> memref<16xi32, #tpu.memory_space<vmem>>
    %dma_wait3A_35 = tpu.memref_slice %arg5[%add3A_4] : memref<2048xi32, #tpu.memory_space<hbm>> -> memref<16xi32, #tpu.memory_space<hbm>>
    %dma_wait3A_36 = arith.constant 32 : i32
    %dma_wait3A_37 = tpu.memref_slice %arg8[%dma_wait3A_36] : memref<48xi32, #tpu.memory_space<vmem>> -> memref<16xi32, #tpu.memory_space<vmem>>
    %dma_wait3A_38 = tpu.memref_slice %arg5[%add3A_4] : memref<2048xi32, #tpu.memory_space<hbm>> -> memref<16xi32, #tpu.memory_space<hbm>>
    tpu.wait_dma2 semaphore(%arg10 : memref<!tpu.dma_semaphore, #tpu.memory_space<semaphore_mem>>) src(%dma_wait3A_38 : memref<16xi32, #tpu.memory_space<hbm>>) dst(%dma_wait3A_37 : memref<16xi32, #tpu.memory_space<vmem>>)
    %scan3A = arith.constant 0 : i32
    %scan3A_39 = arith.constant 0 : i32
    %scan3A_40 = arith.constant 16 : i32
    %scan3A_41 = arith.addi %scan3A_39, %scan3A_40 : i32
    %scan3A_42 = arith.constant 1 : i32
    scf.for %scan3A_48 = %scan3A_39 to %scan3A_41 step %scan3A_42  : i32 {
      %get3A = arith.index_cast %scan3A_48 : i32 to index
      %get3A_49 = tpu.vector_load %arg8[%get3A] {strides = array<i32>} : memref<48xi32, #tpu.memory_space<vmem>>, vector<1xi32>,
      %get3A_50 = vector.shape_cast %get3A_49 : vector<1xi32> to vector<1xi32>
      %squeeze3A = vector.extract %get3A_50[0] : i32 from vector<1xi32>
      %mul3A_51 = arith.constant 512 : i32
      %mul3A_52 = arith.muli %squeeze3A, %mul3A_51 : i32
      %add3A_53 = arith.constant 16 : i32
      %add3A_54 = arith.addi %add3A_53, %scan3A_48 : i32
      %get3A_55 = arith.index_cast %add3A_54 : i32 to index
      %get3A_56 = tpu.vector_load %arg8[%get3A_55] {strides = array<i32>} : memref<48xi32, #tpu.memory_space<vmem>>, vector<1xi32>,
      %get3A_57 = vector.shape_cast %get3A_56 : vector<1xi32> to vector<1xi32>
      %squeeze3A_58 = vector.extract %get3A_57[0] : i32 from vector<1xi32>
      %add3A_59 = arith.constant 91 : i32
      %add3A_60 = arith.addi %squeeze3A_58, %add3A_59 : i32
      %mul3A_61 = arith.constant 512 : i32
      %mul3A_62 = arith.muli %add3A_60, %mul3A_61 : i32
      %add3A_63 = arith.constant 32 : i32
      %add3A_64 = arith.addi %add3A_63, %scan3A_48 : i32
      %get3A_65 = arith.index_cast %add3A_64 : i32 to index
      %get3A_66 = tpu.vector_load %arg8[%get3A_65] {strides = array<i32>} : memref<48xi32, #tpu.memory_space<vmem>>, vector<1xi32>,
      %get3A_67 = vector.shape_cast %get3A_66 : vector<1xi32> to vector<1xi32>
      %squeeze3A_68 = vector.extract %get3A_67[0] : i32 from vector<1xi32>
      %add3A_69 = arith.constant 182 : i32
      %add3A_70 = arith.addi %squeeze3A_68, %add3A_69 : i32
      %mul3A_71 = arith.constant 512 : i32
      %mul3A_72 = arith.muli %add3A_70, %mul3A_71 : i32
      %mul3A_73 = arith.constant 512 : i32
      %mul3A_74 = arith.muli %scan3A_48, %mul3A_73 : i32
      %add3A_75 = arith.constant 0 : i32
      %add3A_76 = arith.addi %mul3A_52, %add3A_75 : i32
      %get3A_77 = arith.index_cast %add3A_76 : i32 to index
      %get3A_78 = tpu.vector_load %arg7[%get3A_77] {strides = array<i32>} : memref<98304xf32, #tpu.memory_space<vmem>>, vector<16xf32>,
      %get3A_79 = vector.shape_cast %get3A_78 : vector<16xf32> to vector<16xf32>
      %add3A_80 = arith.constant 0 : i32
      %add3A_81 = arith.addi %mul3A_62, %add3A_80 : i32
      %get3A_82 = arith.index_cast %add3A_81 : i32 to index
      %get3A_83 = tpu.vector_load %arg7[%get3A_82] {strides = array<i32>} : memref<98304xf32, #tpu.memory_space<vmem>>, vector<16xf32>,
      %get3A_84 = vector.shape_cast %get3A_83 : vector<16xf32> to vector<16xf32>
      %add3A_85 = arith.addf %get3A_79, %get3A_84 : vector<16xf32>
      %add3A_86 = arith.constant 0 : i32
      %add3A_87 = arith.addi %mul3A_72, %add3A_86 : i32
      %get3A_88 = arith.index_cast %add3A_87 : i32 to index
      %get3A_89 = tpu.vector_load %arg7[%get3A_88] {strides = array<i32>} : memref<98304xf32, #tpu.memory_space<vmem>>, vector<16xf32>,
      %get3A_90 = vector.shape_cast %get3A_89 : vector<16xf32> to vector<16xf32>
      %add3A_91 = arith.addf %add3A_85, %get3A_90 : vector<16xf32>
      %add3A_92 = arith.constant 0 : i32
      %add3A_93 = arith.addi %mul3A_74, %add3A_92 : i32
      %swap3A = arith.index_cast %add3A_93 : i32 to index
      %swap3A_94 = tpu.vector_load %arg9[%swap3A] {strides = array<i32>} : memref<8192xf32, #tpu.memory_space<vmem>>, vector<16xf32>,
      %swap3A_95 = vector.shape_cast %swap3A_94 : vector<16xf32> to vector<16xf32>
      %swap3A_96 = vector.shape_cast %add3A_91 : vector<16xf32> to vector<16xf32>
      tpu.vector_store %arg9[%swap3A], %swap3A_96 {strides = array<i32>} : memref<8192xf32, #tpu.memory_space<vmem>>, vector<16xf32>,
      %add3A_97 = arith.constant 16 : i32
      %add3A_98 = arith.addi %mul3A_52, %add3A_97 : i32
      %get3A_99 = arith.index_cast %add3A_98 : i32 to index
      %get3A_100 = tpu.vector_load %arg7[%get3A_99] {strides = array<i32>} : memref<98304xf32, #tpu.memory_space<vmem>>, vector<16xf32>,
      %get3A_101 = vector.shape_cast %get3A_100 : vector<16xf32> to vector<16xf32>
      %add3A_102 = arith.constant 16 : i32
      %add3A_103 = arith.addi %mul3A_62, %add3A_102 : i32
      %get3A_104 = arith.index_cast %add3A_103 : i32 to index
      %get3A_105 = tpu.vector_load %arg7[%get3A_104] {strides = array<i32>} : memref<98304xf32, #tpu.memory_space<vmem>>, vector<16xf32>,
      %get3A_106 = vector.shape_cast %get3A_105 : vector<16xf32> to vector<16xf32>
      %add3A_107 = arith.addf %get3A_101, %get3A_106 : vector<16xf32>
      %add3A_108 = arith.constant 16 : i32
      %add3A_109 = arith.addi %mul3A_72, %add3A_108 : i32
      %get3A_110 = arith.index_cast %add3A_109 : i32 to index
      %get3A_111 = tpu.vector_load %arg7[%get3A_110] {strides = array<i32>} : memref<98304xf32, #tpu.memory_space<vmem>>, vector<16xf32>,
      %get3A_112 = vector.shape_cast %get3A_111 : vector<16xf32> to vector<16xf32>
      %add3A_113 = arith.addf %add3A_107, %get3A_112 : vector<16xf32>
      %add3A_114 = arith.constant 16 : i32
      %add3A_115 = arith.addi %mul3A_74, %add3A_114 : i32
      %swap3A_116 = arith.index_cast %add3A_115 : i32 to index
      %swap3A_117 = tpu.vector_load %arg9[%swap3A_116] {strides = array<i32>} : memref<8192xf32, #tpu.memory_space<vmem>>, vector<16xf32>,
      %swap3A_118 = vector.shape_cast %swap3A_117 : vector<16xf32> to vector<16xf32>
      %swap3A_119 = vector.shape_cast %add3A_113 : vector<16xf32> to vector<16xf32>
      tpu.vector_store %arg9[%swap3A_116], %swap3A_119 {strides = array<i32>} : memref<8192xf32, #tpu.memory_space<vmem>>, vector<16xf32>,
      %add3A_120 = arith.constant 32 : i32
      %add3A_121 = arith.addi %mul3A_52, %add3A_120 : i32
      %get3A_122 = arith.index_cast %add3A_121 : i32 to index
      %get3A_123 = tpu.vector_load %arg7[%get3A_122] {strides = array<i32>} : memref<98304xf32, #tpu.memory_space<vmem>>, vector<16xf32>,
      %get3A_124 = vector.shape_cast %get3A_123 : vector<16xf32> to vector<16xf32>
      %add3A_125 = arith.constant 32 : i32
      %add3A_126 = arith.addi %mul3A_62, %add3A_125 : i32
      %get3A_127 = arith.index_cast %add3A_126 : i32 to index
      %get3A_128 = tpu.vector_load %arg7[%get3A_127] {strides = array<i32>} : memref<98304xf32, #tpu.memory_space<vmem>>, vector<16xf32>,
      %get3A_129 = vector.shape_cast %get3A_128 : vector<16xf32> to vector<16xf32>
      %add3A_130 = arith.addf %get3A_124, %get3A_129 : vector<16xf32>
      %add3A_131 = arith.constant 32 : i32
      %add3A_132 = arith.addi %mul3A_72, %add3A_131 : i32
      %get3A_133 = arith.index_cast %add3A_132 : i32 to index
      %get3A_134 = tpu.vector_load %arg7[%get3A_133] {strides = array<i32>} : memref<98304xf32, #tpu.memory_space<vmem>>, vector<16xf32>,
      %get3A_135 = vector.shape_cast %get3A_134 : vector<16xf32> to vector<16xf32>
      %add3A_136 = arith.addf %add3A_130, %get3A_135 : vector<16xf32>
      %add3A_137 = arith.constant 32 : i32
      %add3A_138 = arith.addi %mul3A_74, %add3A_137 : i32
      %swap3A_139 = arith.index_cast %add3A_138 : i32 to index
      %swap3A_140 = tpu.vector_load %arg9[%swap3A_139] {strides = array<i32>} : memref<8192xf32, #tpu.memory_space<vmem>>, vector<16xf32>,
      %swap3A_141 = vector.shape_cast %swap3A_140 : vector<16xf32> to vector<16xf32>
      %swap3A_142 = vector.shape_cast %add3A_136 : vector<16xf32> to vector<16xf32>
      tpu.vector_store %arg9[%swap3A_139], %swap3A_142 {strides = array<i32>} : memref<8192xf32, #tpu.memory_space<vmem>>, vector<16xf32>,
      %add3A_143 = arith.constant 48 : i32
      %add3A_144 = arith.addi %mul3A_52, %add3A_143 : i32
      %get3A_145 = arith.index_cast %add3A_144 : i32 to index
      %get3A_146 = tpu.vector_load %arg7[%get3A_145] {strides = array<i32>} : memref<98304xf32, #tpu.memory_space<vmem>>, vector<16xf32>,
      %get3A_147 = vector.shape_cast %get3A_146 : vector<16xf32> to vector<16xf32>
      %add3A_148 = arith.constant 48 : i32
      %add3A_149 = arith.addi %mul3A_62, %add3A_148 : i32
      %get3A_150 = arith.index_cast %add3A_149 : i32 to index
      %get3A_151 = tpu.vector_load %arg7[%get3A_150] {strides = array<i32>} : memref<98304xf32, #tpu.memory_space<vmem>>, vector<16xf32>,
      %get3A_152 = vector.shape_cast %get3A_151 : vector<16xf32> to vector<16xf32>
      %add3A_153 = arith.addf %get3A_147, %get3A_152 : vector<16xf32>
      %add3A_154 = arith.constant 48 : i32
      %add3A_155 = arith.addi %mul3A_72, %add3A_154 : i32
      %get3A_156 = arith.index_cast %add3A_155 : i32 to index
      %get3A_157 = tpu.vector_load %arg7[%get3A_156] {strides = array<i32>} : memref<98304xf32, #tpu.memory_space<vmem>>, vector<16xf32>,
      %get3A_158 = vector.shape_cast %get3A_157 : vector<16xf32> to vector<16xf32>
      %add3A_159 = arith.addf %add3A_153, %get3A_158 : vector<16xf32>
      %add3A_160 = arith.constant 48 : i32
      %add3A_161 = arith.addi %mul3A_74, %add3A_160 : i32
      %swap3A_162 = arith.index_cast %add3A_161 : i32 to index
      %swap3A_163 = tpu.vector_load %arg9[%swap3A_162] {strides = array<i32>} : memref<8192xf32, #tpu.memory_space<vmem>>, vector<16xf32>,
      %swap3A_164 = vector.shape_cast %swap3A_163 : vector<16xf32> to vector<16xf32>
      %swap3A_165 = vector.shape_cast %add3A_159 : vector<16xf32> to vector<16xf32>
      tpu.vector_store %arg9[%swap3A_162], %swap3A_165 {strides = array<i32>} : memref<8192xf32, #tpu.memory_space<vmem>>, vector<16xf32>,
      %add3A_166 = arith.constant 64 : i32
      %add3A_167 = arith.addi %mul3A_52, %add3A_166 : i32
      %get3A_168 = arith.index_cast %add3A_167 : i32 to index
      %get3A_169 = tpu.vector_load %arg7[%get3A_168] {strides = array<i32>} : memref<98304xf32, #tpu.memory_space<vmem>>, vector<16xf32>,
      %get3A_170 = vector.shape_cast %get3A_169 : vector<16xf32> to vector<16xf32>
      %add3A_171 = arith.constant 64 : i32
      %add3A_172 = arith.addi %mul3A_62, %add3A_171 : i32
      %get3A_173 = arith.index_cast %add3A_172 : i32 to index
      %get3A_174 = tpu.vector_load %arg7[%get3A_173] {strides = array<i32>} : memref<98304xf32, #tpu.memory_space<vmem>>, vector<16xf32>,
      %get3A_175 = vector.shape_cast %get3A_174 : vector<16xf32> to vector<16xf32>
      %add3A_176 = arith.addf %get3A_170, %get3A_175 : vector<16xf32>
      %add3A_177 = arith.constant 64 : i32
      %add3A_178 = arith.addi %mul3A_72, %add3A_177 : i32
      %get3A_179 = arith.index_cast %add3A_178 : i32 to index
      %get3A_180 = tpu.vector_load %arg7[%get3A_179] {strides = array<i32>} : memref<98304xf32, #tpu.memory_space<vmem>>, vector<16xf32>,
      %get3A_181 = vector.shape_cast %get3A_180 : vector<16xf32> to vector<16xf32>
      %add3A_182 = arith.addf %add3A_176, %get3A_181 : vector<16xf32>
      %add3A_183 = arith.constant 64 : i32
      %add3A_184 = arith.addi %mul3A_74, %add3A_183 : i32
      %swap3A_185 = arith.index_cast %add3A_184 : i32 to index
      %swap3A_186 = tpu.vector_load %arg9[%swap3A_185] {strides = array<i32>} : memref<8192xf32, #tpu.memory_space<vmem>>, vector<16xf32>,
      %swap3A_187 = vector.shape_cast %swap3A_186 : vector<16xf32> to vector<16xf32>
      %swap3A_188 = vector.shape_cast %add3A_182 : vector<16xf32> to vector<16xf32>
      tpu.vector_store %arg9[%swap3A_185], %swap3A_188 {strides = array<i32>} : memref<8192xf32, #tpu.memory_space<vmem>>, vector<16xf32>,
      %add3A_189 = arith.constant 80 : i32
      %add3A_190 = arith.addi %mul3A_52, %add3A_189 : i32
      %get3A_191 = arith.index_cast %add3A_190 : i32 to index
      %get3A_192 = tpu.vector_load %arg7[%get3A_191] {strides = array<i32>} : memref<98304xf32, #tpu.memory_space<vmem>>, vector<16xf32>,
      %get3A_193 = vector.shape_cast %get3A_192 : vector<16xf32> to vector<16xf32>
      %add3A_194 = arith.constant 80 : i32
      %add3A_195 = arith.addi %mul3A_62, %add3A_194 : i32
      %get3A_196 = arith.index_cast %add3A_195 : i32 to index
      %get3A_197 = tpu.vector_load %arg7[%get3A_196] {strides = array<i32>} : memref<98304xf32, #tpu.memory_space<vmem>>, vector<16xf32>,
      %get3A_198 = vector.shape_cast %get3A_197 : vector<16xf32> to vector<16xf32>
      %add3A_199 = arith.addf %get3A_193, %get3A_198 : vector<16xf32>
      %add3A_200 = arith.constant 80 : i32
      %add3A_201 = arith.addi %mul3A_72, %add3A_200 : i32
      %get3A_202 = arith.index_cast %add3A_201 : i32 to index
      %get3A_203 = tpu.vector_load %arg7[%get3A_202] {strides = array<i32>} : memref<98304xf32, #tpu.memory_space<vmem>>, vector<16xf32>,
      %get3A_204 = vector.shape_cast %get3A_203 : vector<16xf32> to vector<16xf32>
      %add3A_205 = arith.addf %add3A_199, %get3A_204 : vector<16xf32>
      %add3A_206 = arith.constant 80 : i32
      %add3A_207 = arith.addi %mul3A_74, %add3A_206 : i32
      %swap3A_208 = arith.index_cast %add3A_207 : i32 to index
      %swap3A_209 = tpu.vector_load %arg9[%swap3A_208] {strides = array<i32>} : memref<8192xf32, #tpu.memory_space<vmem>>, vector<16xf32>,
      %swap3A_210 = vector.shape_cast %swap3A_209 : vector<16xf32> to vector<16xf32>
      %swap3A_211 = vector.shape_cast %add3A_205 : vector<16xf32> to vector<16xf32>
      tpu.vector_store %arg9[%swap3A_208], %swap3A_211 {strides = array<i32>} : memref<8192xf32, #tpu.memory_space<vmem>>, vector<16xf32>,
      %add3A_212 = arith.constant 96 : i32
      %add3A_213 = arith.addi %mul3A_52, %add3A_212 : i32
      %get3A_214 = arith.index_cast %add3A_213 : i32 to index
      %get3A_215 = tpu.vector_load %arg7[%get3A_214] {strides = array<i32>} : memref<98304xf32, #tpu.memory_space<vmem>>, vector<16xf32>,
      %get3A_216 = vector.shape_cast %get3A_215 : vector<16xf32> to vector<16xf32>
      %add3A_217 = arith.constant 96 : i32
      %add3A_218 = arith.addi %mul3A_62, %add3A_217 : i32
      %get3A_219 = arith.index_cast %add3A_218 : i32 to index
      %get3A_220 = tpu.vector_load %arg7[%get3A_219] {strides = array<i32>} : memref<98304xf32, #tpu.memory_space<vmem>>, vector<16xf32>,
      %get3A_221 = vector.shape_cast %get3A_220 : vector<16xf32> to vector<16xf32>
      %add3A_222 = arith.addf %get3A_216, %get3A_221 : vector<16xf32>
      %add3A_223 = arith.constant 96 : i32
      %add3A_224 = arith.addi %mul3A_72, %add3A_223 : i32
      %get3A_225 = arith.index_cast %add3A_224 : i32 to index
      %get3A_226 = tpu.vector_load %arg7[%get3A_225] {strides = array<i32>} : memref<98304xf32, #tpu.memory_space<vmem>>, vector<16xf32>,
      %get3A_227 = vector.shape_cast %get3A_226 : vector<16xf32> to vector<16xf32>
      %add3A_228 = arith.addf %add3A_222, %get3A_227 : vector<16xf32>
      %add3A_229 = arith.constant 96 : i32
      %add3A_230 = arith.addi %mul3A_74, %add3A_229 : i32
      %swap3A_231 = arith.index_cast %add3A_230 : i32 to index
      %swap3A_232 = tpu.vector_load %arg9[%swap3A_231] {strides = array<i32>} : memref<8192xf32, #tpu.memory_space<vmem>>, vector<16xf32>,
      %swap3A_233 = vector.shape_cast %swap3A_232 : vector<16xf32> to vector<16xf32>
      %swap3A_234 = vector.shape_cast %add3A_228 : vector<16xf32> to vector<16xf32>
      tpu.vector_store %arg9[%swap3A_231], %swap3A_234 {strides = array<i32>} : memref<8192xf32, #tpu.memory_space<vmem>>, vector<16xf32>,
      %add3A_235 = arith.constant 112 : i32
      %add3A_236 = arith.addi %mul3A_52, %add3A_235 : i32
      %get3A_237 = arith.index_cast %add3A_236 : i32 to index
      %get3A_238 = tpu.vector_load %arg7[%get3A_237] {strides = array<i32>} : memref<98304xf32, #tpu.memory_space<vmem>>, vector<16xf32>,
      %get3A_239 = vector.shape_cast %get3A_238 : vector<16xf32> to vector<16xf32>
      %add3A_240 = arith.constant 112 : i32
      %add3A_241 = arith.addi %mul3A_62, %add3A_240 : i32
      %get3A_242 = arith.index_cast %add3A_241 : i32 to index
      %get3A_243 = tpu.vector_load %arg7[%get3A_242] {strides = array<i32>} : memref<98304xf32, #tpu.memory_space<vmem>>, vector<16xf32>,
      %get3A_244 = vector.shape_cast %get3A_243 : vector<16xf32> to vector<16xf32>
      %add3A_245 = arith.addf %get3A_239, %get3A_244 : vector<16xf32>
      %add3A_246 = arith.constant 112 : i32
      %add3A_247 = arith.addi %mul3A_72, %add3A_246 : i32
      %get3A_248 = arith.index_cast %add3A_247 : i32 to index
      %get3A_249 = tpu.vector_load %arg7[%get3A_248] {strides = array<i32>} : memref<98304xf32, #tpu.memory_space<vmem>>, vector<16xf32>,
      %get3A_250 = vector.shape_cast %get3A_249 : vector<16xf32> to vector<16xf32>
      %add3A_251 = arith.addf %add3A_245, %get3A_250 : vector<16xf32>
      %add3A_252 = arith.constant 112 : i32
      %add3A_253 = arith.addi %mul3A_74, %add3A_252 : i32
      %swap3A_254 = arith.index_cast %add3A_253 : i32 to index
      %swap3A_255 = tpu.vector_load %arg9[%swap3A_254] {strides = array<i32>} : memref<8192xf32, #tpu.memory_space<vmem>>, vector<16xf32>,
      %swap3A_256 = vector.shape_cast %swap3A_255 : vector<16xf32> to vector<16xf32>
      %swap3A_257 = vector.shape_cast %add3A_251 : vector<16xf32> to vector<16xf32>
      tpu.vector_store %arg9[%swap3A_254], %swap3A_257 {strides = array<i32>} : memref<8192xf32, #tpu.memory_space<vmem>>, vector<16xf32>,
      %add3A_258 = arith.constant 128 : i32
      %add3A_259 = arith.addi %mul3A_52, %add3A_258 : i32
      %get3A_260 = arith.index_cast %add3A_259 : i32 to index
      %get3A_261 = tpu.vector_load %arg7[%get3A_260] {strides = array<i32>} : memref<98304xf32, #tpu.memory_space<vmem>>, vector<16xf32>,
      %get3A_262 = vector.shape_cast %get3A_261 : vector<16xf32> to vector<16xf32>
      %add3A_263 = arith.constant 128 : i32
      %add3A_264 = arith.addi %mul3A_62, %add3A_263 : i32
      %get3A_265 = arith.index_cast %add3A_264 : i32 to index
      %get3A_266 = tpu.vector_load %arg7[%get3A_265] {strides = array<i32>} : memref<98304xf32, #tpu.memory_space<vmem>>, vector<16xf32>,
      %get3A_267 = vector.shape_cast %get3A_266 : vector<16xf32> to vector<16xf32>
      %add3A_268 = arith.addf %get3A_262, %get3A_267 : vector<16xf32>
      %add3A_269 = arith.constant 128 : i32
      %add3A_270 = arith.addi %mul3A_72, %add3A_269 : i32
      %get3A_271 = arith.index_cast %add3A_270 : i32 to index
      %get3A_272 = tpu.vector_load %arg7[%get3A_271] {strides = array<i32>} : memref<98304xf32, #tpu.memory_space<vmem>>, vector<16xf32>,
      %get3A_273 = vector.shape_cast %get3A_272 : vector<16xf32> to vector<16xf32>
      %add3A_274 = arith.addf %add3A_268, %get3A_273 : vector<16xf32>
      %add3A_275 = arith.constant 128 : i32
      %add3A_276 = arith.addi %mul3A_74, %add3A_275 : i32
      %swap3A_277 = arith.index_cast %add3A_276 : i32 to index
      %swap3A_278 = tpu.vector_load %arg9[%swap3A_277] {strides = array<i32>} : memref<8192xf32, #tpu.memory_space<vmem>>, vector<16xf32>,
      %swap3A_279 = vector.shape_cast %swap3A_278 : vector<16xf32> to vector<16xf32>
      %swap3A_280 = vector.shape_cast %add3A_274 : vector<16xf32> to vector<16xf32>
      tpu.vector_store %arg9[%swap3A_277], %swap3A_280 {strides = array<i32>} : memref<8192xf32, #tpu.memory_space<vmem>>, vector<16xf32>,
      %add3A_281 = arith.constant 144 : i32
      %add3A_282 = arith.addi %mul3A_52, %add3A_281 : i32
      %get3A_283 = arith.index_cast %add3A_282 : i32 to index
      %get3A_284 = tpu.vector_load %arg7[%get3A_283] {strides = array<i32>} : memref<98304xf32, #tpu.memory_space<vmem>>, vector<16xf32>,
      %get3A_285 = vector.shape_cast %get3A_284 : vector<16xf32> to vector<16xf32>
      %add3A_286 = arith.constant 144 : i32
      %add3A_287 = arith.addi %mul3A_62, %add3A_286 : i32
      %get3A_288 = arith.index_cast %add3A_287 : i32 to index
      %get3A_289 = tpu.vector_load %arg7[%get3A_288] {strides = array<i32>} : memref<98304xf32, #tpu.memory_space<vmem>>, vector<16xf32>,
      %get3A_290 = vector.shape_cast %get3A_289 : vector<16xf32> to vector<16xf32>
      %add3A_291 = arith.addf %get3A_285, %get3A_290 : vector<16xf32>
      %add3A_292 = arith.constant 144 : i32
      %add3A_293 = arith.addi %mul3A_72, %add3A_292 : i32
      %get3A_294 = arith.index_cast %add3A_293 : i32 to index
      %get3A_295 = tpu.vector_load %arg7[%get3A_294] {strides = array<i32>} : memref<98304xf32, #tpu.memory_space<vmem>>, vector<16xf32>,
      %get3A_296 = vector.shape_cast %get3A_295 : vector<16xf32> to vector<16xf32>
      %add3A_297 = arith.addf %add3A_291, %get3A_296 : vector<16xf32>
      %add3A_298 = arith.constant 144 : i32
      %add3A_299 = arith.addi %mul3A_74, %add3A_298 : i32
      %swap3A_300 = arith.index_cast %add3A_299 : i32 to index
      %swap3A_301 = tpu.vector_load %arg9[%swap3A_300] {strides = array<i32>} : memref<8192xf32, #tpu.memory_space<vmem>>, vector<16xf32>,
      %swap3A_302 = vector.shape_cast %swap3A_301 : vector<16xf32> to vector<16xf32>
      %swap3A_303 = vector.shape_cast %add3A_297 : vector<16xf32> to vector<16xf32>
      tpu.vector_store %arg9[%swap3A_300], %swap3A_303 {strides = array<i32>} : memref<8192xf32, #tpu.memory_space<vmem>>, vector<16xf32>,
      %add3A_304 = arith.constant 160 : i32
      %add3A_305 = arith.addi %mul3A_52, %add3A_304 : i32
      %get3A_306 = arith.index_cast %add3A_305 : i32 to index
      %get3A_307 = tpu.vector_load %arg7[%get3A_306] {strides = array<i32>} : memref<98304xf32, #tpu.memory_space<vmem>>, vector<16xf32>,
      %get3A_308 = vector.shape_cast %get3A_307 : vector<16xf32> to vector<16xf32>
      %add3A_309 = arith.constant 160 : i32
      %add3A_310 = arith.addi %mul3A_62, %add3A_309 : i32
      %get3A_311 = arith.index_cast %add3A_310 : i32 to index
      %get3A_312 = tpu.vector_load %arg7[%get3A_311] {strides = array<i32>} : memref<98304xf32, #tpu.memory_space<vmem>>, vector<16xf32>,
      %get3A_313 = vector.shape_cast %get3A_312 : vector<16xf32> to vector<16xf32>
      %add3A_314 = arith.addf %get3A_308, %get3A_313 : vector<16xf32>
      %add3A_315 = arith.constant 160 : i32
      %add3A_316 = arith.addi %mul3A_72, %add3A_315 : i32
      %get3A_317 = arith.index_cast %add3A_316 : i32 to index
      %get3A_318 = tpu.vector_load %arg7[%get3A_317] {strides = array<i32>} : memref<98304xf32, #tpu.memory_space<vmem>>, vector<16xf32>,
      %get3A_319 = vector.shape_cast %get3A_318 : vector<16xf32> to vector<16xf32>
      %add3A_320 = arith.addf %add3A_314, %get3A_319 : vector<16xf32>
      %add3A_321 = arith.constant 160 : i32
      %add3A_322 = arith.addi %mul3A_74, %add3A_321 : i32
      %swap3A_323 = arith.index_cast %add3A_322 : i32 to index
      %swap3A_324 = tpu.vector_load %arg9[%swap3A_323] {strides = array<i32>} : memref<8192xf32, #tpu.memory_space<vmem>>, vector<16xf32>,
      %swap3A_325 = vector.shape_cast %swap3A_324 : vector<16xf32> to vector<16xf32>
      %swap3A_326 = vector.shape_cast %add3A_320 : vector<16xf32> to vector<16xf32>
      tpu.vector_store %arg9[%swap3A_323], %swap3A_326 {strides = array<i32>} : memref<8192xf32, #tpu.memory_space<vmem>>, vector<16xf32>,
      %add3A_327 = arith.constant 176 : i32
      %add3A_328 = arith.addi %mul3A_52, %add3A_327 : i32
      %get3A_329 = arith.index_cast %add3A_328 : i32 to index
      %get3A_330 = tpu.vector_load %arg7[%get3A_329] {strides = array<i32>} : memref<98304xf32, #tpu.memory_space<vmem>>, vector<16xf32>,
      %get3A_331 = vector.shape_cast %get3A_330 : vector<16xf32> to vector<16xf32>
      %add3A_332 = arith.constant 176 : i32
      %add3A_333 = arith.addi %mul3A_62, %add3A_332 : i32
      %get3A_334 = arith.index_cast %add3A_333 : i32 to index
      %get3A_335 = tpu.vector_load %arg7[%get3A_334] {strides = array<i32>} : memref<98304xf32, #tpu.memory_space<vmem>>, vector<16xf32>,
      %get3A_336 = vector.shape_cast %get3A_335 : vector<16xf32> to vector<16xf32>
      %add3A_337 = arith.addf %get3A_331, %get3A_336 : vector<16xf32>
      %add3A_338 = arith.constant 176 : i32
      %add3A_339 = arith.addi %mul3A_72, %add3A_338 : i32
      %get3A_340 = arith.index_cast %add3A_339 : i32 to index
      %get3A_341 = tpu.vector_load %arg7[%get3A_340] {strides = array<i32>} : memref<98304xf32, #tpu.memory_space<vmem>>, vector<16xf32>,
      %get3A_342 = vector.shape_cast %get3A_341 : vector<16xf32> to vector<16xf32>
      %add3A_343 = arith.addf %add3A_337, %get3A_342 : vector<16xf32>
      %add3A_344 = arith.constant 176 : i32
      %add3A_345 = arith.addi %mul3A_74, %add3A_344 : i32
      %swap3A_346 = arith.index_cast %add3A_345 : i32 to index
      %swap3A_347 = tpu.vector_load %arg9[%swap3A_346] {strides = array<i32>} : memref<8192xf32, #tpu.memory_space<vmem>>, vector<16xf32>,
      %swap3A_348 = vector.shape_cast %swap3A_347 : vector<16xf32> to vector<16xf32>
      %swap3A_349 = vector.shape_cast %add3A_343 : vector<16xf32> to vector<16xf32>
      tpu.vector_store %arg9[%swap3A_346], %swap3A_349 {strides = array<i32>} : memref<8192xf32, #tpu.memory_space<vmem>>, vector<16xf32>,
      %add3A_350 = arith.constant 192 : i32
      %add3A_351 = arith.addi %mul3A_52, %add3A_350 : i32
      %get3A_352 = arith.index_cast %add3A_351 : i32 to index
      %get3A_353 = tpu.vector_load %arg7[%get3A_352] {strides = array<i32>} : memref<98304xf32, #tpu.memory_space<vmem>>, vector<16xf32>,
      %get3A_354 = vector.shape_cast %get3A_353 : vector<16xf32> to vector<16xf32>
      %add3A_355 = arith.constant 192 : i32
      %add3A_356 = arith.addi %mul3A_62, %add3A_355 : i32
      %get3A_357 = arith.index_cast %add3A_356 : i32 to index
      %get3A_358 = tpu.vector_load %arg7[%get3A_357] {strides = array<i32>} : memref<98304xf32, #tpu.memory_space<vmem>>, vector<16xf32>,
      %get3A_359 = vector.shape_cast %get3A_358 : vector<16xf32> to vector<16xf32>
      %add3A_360 = arith.addf %get3A_354, %get3A_359 : vector<16xf32>
      %add3A_361 = arith.constant 192 : i32
      %add3A_362 = arith.addi %mul3A_72, %add3A_361 : i32
      %get3A_363 = arith.index_cast %add3A_362 : i32 to index
      %get3A_364 = tpu.vector_load %arg7[%get3A_363] {strides = array<i32>} : memref<98304xf32, #tpu.memory_space<vmem>>, vector<16xf32>,
      %get3A_365 = vector.shape_cast %get3A_364 : vector<16xf32> to vector<16xf32>
      %add3A_366 = arith.addf %add3A_360, %get3A_365 : vector<16xf32>
      %add3A_367 = arith.constant 192 : i32
      %add3A_368 = arith.addi %mul3A_74, %add3A_367 : i32
      %swap3A_369 = arith.index_cast %add3A_368 : i32 to index
      %swap3A_370 = tpu.vector_load %arg9[%swap3A_369] {strides = array<i32>} : memref<8192xf32, #tpu.memory_space<vmem>>, vector<16xf32>,
      %swap3A_371 = vector.shape_cast %swap3A_370 : vector<16xf32> to vector<16xf32>
      %swap3A_372 = vector.shape_cast %add3A_366 : vector<16xf32> to vector<16xf32>
      tpu.vector_store %arg9[%swap3A_369], %swap3A_372 {strides = array<i32>} : memref<8192xf32, #tpu.memory_space<vmem>>, vector<16xf32>,
      %add3A_373 = arith.constant 208 : i32
      %add3A_374 = arith.addi %mul3A_52, %add3A_373 : i32
      %get3A_375 = arith.index_cast %add3A_374 : i32 to index
      %get3A_376 = tpu.vector_load %arg7[%get3A_375] {strides = array<i32>} : memref<98304xf32, #tpu.memory_space<vmem>>, vector<16xf32>,
      %get3A_377 = vector.shape_cast %get3A_376 : vector<16xf32> to vector<16xf32>
      %add3A_378 = arith.constant 208 : i32
      %add3A_379 = arith.addi %mul3A_62, %add3A_378 : i32
      %get3A_380 = arith.index_cast %add3A_379 : i32 to index
      %get3A_381 = tpu.vector_load %arg7[%get3A_380] {strides = array<i32>} : memref<98304xf32, #tpu.memory_space<vmem>>, vector<16xf32>,
      %get3A_382 = vector.shape_cast %get3A_381 : vector<16xf32> to vector<16xf32>
      %add3A_383 = arith.addf %get3A_377, %get3A_382 : vector<16xf32>
      %add3A_384 = arith.constant 208 : i32
      %add3A_385 = arith.addi %mul3A_72, %add3A_384 : i32
      %get3A_386 = arith.index_cast %add3A_385 : i32 to index
      %get3A_387 = tpu.vector_load %arg7[%get3A_386] {strides = array<i32>} : memref<98304xf32, #tpu.memory_space<vmem>>, vector<16xf32>,
      %get3A_388 = vector.shape_cast %get3A_387 : vector<16xf32> to vector<16xf32>
      %add3A_389 = arith.addf %add3A_383, %get3A_388 : vector<16xf32>
      %add3A_390 = arith.constant 208 : i32
      %add3A_391 = arith.addi %mul3A_74, %add3A_390 : i32
      %swap3A_392 = arith.index_cast %add3A_391 : i32 to index
      %swap3A_393 = tpu.vector_load %arg9[%swap3A_392] {strides = array<i32>} : memref<8192xf32, #tpu.memory_space<vmem>>, vector<16xf32>,
      %swap3A_394 = vector.shape_cast %swap3A_393 : vector<16xf32> to vector<16xf32>
      %swap3A_395 = vector.shape_cast %add3A_389 : vector<16xf32> to vector<16xf32>
      tpu.vector_store %arg9[%swap3A_392], %swap3A_395 {strides = array<i32>} : memref<8192xf32, #tpu.memory_space<vmem>>, vector<16xf32>,
      %add3A_396 = arith.constant 224 : i32
      %add3A_397 = arith.addi %mul3A_52, %add3A_396 : i32
      %get3A_398 = arith.index_cast %add3A_397 : i32 to index
      %get3A_399 = tpu.vector_load %arg7[%get3A_398] {strides = array<i32>} : memref<98304xf32, #tpu.memory_space<vmem>>, vector<16xf32>,
      %get3A_400 = vector.shape_cast %get3A_399 : vector<16xf32> to vector<16xf32>
      %add3A_401 = arith.constant 224 : i32
      %add3A_402 = arith.addi %mul3A_62, %add3A_401 : i32
      %get3A_403 = arith.index_cast %add3A_402 : i32 to index
      %get3A_404 = tpu.vector_load %arg7[%get3A_403] {strides = array<i32>} : memref<98304xf32, #tpu.memory_space<vmem>>, vector<16xf32>,
      %get3A_405 = vector.shape_cast %get3A_404 : vector<16xf32> to vector<16xf32>
      %add3A_406 = arith.addf %get3A_400, %get3A_405 : vector<16xf32>
      %add3A_407 = arith.constant 224 : i32
      %add3A_408 = arith.addi %mul3A_72, %add3A_407 : i32
      %get3A_409 = arith.index_cast %add3A_408 : i32 to index
      %get3A_410 = tpu.vector_load %arg7[%get3A_409] {strides = array<i32>} : memref<98304xf32, #tpu.memory_space<vmem>>, vector<16xf32>,
      %get3A_411 = vector.shape_cast %get3A_410 : vector<16xf32> to vector<16xf32>
      %add3A_412 = arith.addf %add3A_406, %get3A_411 : vector<16xf32>
      %add3A_413 = arith.constant 224 : i32
      %add3A_414 = arith.addi %mul3A_74, %add3A_413 : i32
      %swap3A_415 = arith.index_cast %add3A_414 : i32 to index
      %swap3A_416 = tpu.vector_load %arg9[%swap3A_415] {strides = array<i32>} : memref<8192xf32, #tpu.memory_space<vmem>>, vector<16xf32>,
      %swap3A_417 = vector.shape_cast %swap3A_416 : vector<16xf32> to vector<16xf32>
      %swap3A_418 = vector.shape_cast %add3A_412 : vector<16xf32> to vector<16xf32>
      tpu.vector_store %arg9[%swap3A_415], %swap3A_418 {strides = array<i32>} : memref<8192xf32, #tpu.memory_space<vmem>>, vector<16xf32>,
      %add3A_419 = arith.constant 240 : i32
      %add3A_420 = arith.addi %mul3A_52, %add3A_419 : i32
      %get3A_421 = arith.index_cast %add3A_420 : i32 to index
      %get3A_422 = tpu.vector_load %arg7[%get3A_421] {strides = array<i32>} : memref<98304xf32, #tpu.memory_space<vmem>>, vector<16xf32>,
      %get3A_423 = vector.shape_cast %get3A_422 : vector<16xf32> to vector<16xf32>
      %add3A_424 = arith.constant 240 : i32
      %add3A_425 = arith.addi %mul3A_62, %add3A_424 : i32
      %get3A_426 = arith.index_cast %add3A_425 : i32 to index
      %get3A_427 = tpu.vector_load %arg7[%get3A_426] {strides = array<i32>} : memref<98304xf32, #tpu.memory_space<vmem>>, vector<16xf32>,
      %get3A_428 = vector.shape_cast %get3A_427 : vector<16xf32> to vector<16xf32>
      %add3A_429 = arith.addf %get3A_423, %get3A_428 : vector<16xf32>
      %add3A_430 = arith.constant 240 : i32
      %add3A_431 = arith.addi %mul3A_72, %add3A_430 : i32
      %get3A_432 = arith.index_cast %add3A_431 : i32 to index
      %get3A_433 = tpu.vector_load %arg7[%get3A_432] {strides = array<i32>} : memref<98304xf32, #tpu.memory_space<vmem>>, vector<16xf32>,
      %get3A_434 = vector.shape_cast %get3A_433 : vector<16xf32> to vector<16xf32>
      %add3A_435 = arith.addf %add3A_429, %get3A_434 : vector<16xf32>
      %add3A_436 = arith.constant 240 : i32
      %add3A_437 = arith.addi %mul3A_74, %add3A_436 : i32
      %swap3A_438 = arith.index_cast %add3A_437 : i32 to index
      %swap3A_439 = tpu.vector_load %arg9[%swap3A_438] {strides = array<i32>} : memref<8192xf32, #tpu.memory_space<vmem>>, vector<16xf32>,
      %swap3A_440 = vector.shape_cast %swap3A_439 : vector<16xf32> to vector<16xf32>
      %swap3A_441 = vector.shape_cast %add3A_435 : vector<16xf32> to vector<16xf32>
      tpu.vector_store %arg9[%swap3A_438], %swap3A_441 {strides = array<i32>} : memref<8192xf32, #tpu.memory_space<vmem>>, vector<16xf32>,
      %add3A_442 = arith.constant 256 : i32
      %add3A_443 = arith.addi %mul3A_52, %add3A_442 : i32
      %get3A_444 = arith.index_cast %add3A_443 : i32 to index
      %get3A_445 = tpu.vector_load %arg7[%get3A_444] {strides = array<i32>} : memref<98304xf32, #tpu.memory_space<vmem>>, vector<16xf32>,
      %get3A_446 = vector.shape_cast %get3A_445 : vector<16xf32> to vector<16xf32>
      %add3A_447 = arith.constant 256 : i32
      %add3A_448 = arith.addi %mul3A_62, %add3A_447 : i32
      %get3A_449 = arith.index_cast %add3A_448 : i32 to index
      %get3A_450 = tpu.vector_load %arg7[%get3A_449] {strides = array<i32>} : memref<98304xf32, #tpu.memory_space<vmem>>, vector<16xf32>,
      %get3A_451 = vector.shape_cast %get3A_450 : vector<16xf32> to vector<16xf32>
      %add3A_452 = arith.addf %get3A_446, %get3A_451 : vector<16xf32>
      %add3A_453 = arith.constant 256 : i32
      %add3A_454 = arith.addi %mul3A_72, %add3A_453 : i32
      %get3A_455 = arith.index_cast %add3A_454 : i32 to index
      %get3A_456 = tpu.vector_load %arg7[%get3A_455] {strides = array<i32>} : memref<98304xf32, #tpu.memory_space<vmem>>, vector<16xf32>,
      %get3A_457 = vector.shape_cast %get3A_456 : vector<16xf32> to vector<16xf32>
      %add3A_458 = arith.addf %add3A_452, %get3A_457 : vector<16xf32>
      %add3A_459 = arith.constant 256 : i32
      %add3A_460 = arith.addi %mul3A_74, %add3A_459 : i32
      %swap3A_461 = arith.index_cast %add3A_460 : i32 to index
      %swap3A_462 = tpu.vector_load %arg9[%swap3A_461] {strides = array<i32>} : memref<8192xf32, #tpu.memory_space<vmem>>, vector<16xf32>,
      %swap3A_463 = vector.shape_cast %swap3A_462 : vector<16xf32> to vector<16xf32>
      %swap3A_464 = vector.shape_cast %add3A_458 : vector<16xf32> to vector<16xf32>
      tpu.vector_store %arg9[%swap3A_461], %swap3A_464 {strides = array<i32>} : memref<8192xf32, #tpu.memory_space<vmem>>, vector<16xf32>,
      %add3A_465 = arith.constant 272 : i32
      %add3A_466 = arith.addi %mul3A_52, %add3A_465 : i32
      %get3A_467 = arith.index_cast %add3A_466 : i32 to index
      %get3A_468 = tpu.vector_load %arg7[%get3A_467] {strides = array<i32>} : memref<98304xf32, #tpu.memory_space<vmem>>, vector<16xf32>,
      %get3A_469 = vector.shape_cast %get3A_468 : vector<16xf32> to vector<16xf32>
      %add3A_470 = arith.constant 272 : i32
      %add3A_471 = arith.addi %mul3A_62, %add3A_470 : i32
      %get3A_472 = arith.index_cast %add3A_471 : i32 to index
      %get3A_473 = tpu.vector_load %arg7[%get3A_472] {strides = array<i32>} : memref<98304xf32, #tpu.memory_space<vmem>>, vector<16xf32>,
      %get3A_474 = vector.shape_cast %get3A_473 : vector<16xf32> to vector<16xf32>
      %add3A_475 = arith.addf %get3A_469, %get3A_474 : vector<16xf32>
      %add3A_476 = arith.constant 272 : i32
      %add3A_477 = arith.addi %mul3A_72, %add3A_476 : i32
      %get3A_478 = arith.index_cast %add3A_477 : i32 to index
      %get3A_479 = tpu.vector_load %arg7[%get3A_478] {strides = array<i32>} : memref<98304xf32, #tpu.memory_space<vmem>>, vector<16xf32>,
      %get3A_480 = vector.shape_cast %get3A_479 : vector<16xf32> to vector<16xf32>
      %add3A_481 = arith.addf %add3A_475, %get3A_480 : vector<16xf32>
      %add3A_482 = arith.constant 272 : i32
      %add3A_483 = arith.addi %mul3A_74, %add3A_482 : i32
      %swap3A_484 = arith.index_cast %add3A_483 : i32 to index
      %swap3A_485 = tpu.vector_load %arg9[%swap3A_484] {strides = array<i32>} : memref<8192xf32, #tpu.memory_space<vmem>>, vector<16xf32>,
      %swap3A_486 = vector.shape_cast %swap3A_485 : vector<16xf32> to vector<16xf32>
      %swap3A_487 = vector.shape_cast %add3A_481 : vector<16xf32> to vector<16xf32>
      tpu.vector_store %arg9[%swap3A_484], %swap3A_487 {strides = array<i32>} : memref<8192xf32, #tpu.memory_space<vmem>>, vector<16xf32>,
      %add3A_488 = arith.constant 288 : i32
      %add3A_489 = arith.addi %mul3A_52, %add3A_488 : i32
      %get3A_490 = arith.index_cast %add3A_489 : i32 to index
      %get3A_491 = tpu.vector_load %arg7[%get3A_490] {strides = array<i32>} : memref<98304xf32, #tpu.memory_space<vmem>>, vector<16xf32>,
      %get3A_492 = vector.shape_cast %get3A_491 : vector<16xf32> to vector<16xf32>
      %add3A_493 = arith.constant 288 : i32
      %add3A_494 = arith.addi %mul3A_62, %add3A_493 : i32
      %get3A_495 = arith.index_cast %add3A_494 : i32 to index
      %get3A_496 = tpu.vector_load %arg7[%get3A_495] {strides = array<i32>} : memref<98304xf32, #tpu.memory_space<vmem>>, vector<16xf32>,
      %get3A_497 = vector.shape_cast %get3A_496 : vector<16xf32> to vector<16xf32>
      %add3A_498 = arith.addf %get3A_492, %get3A_497 : vector<16xf32>
      %add3A_499 = arith.constant 288 : i32
      %add3A_500 = arith.addi %mul3A_72, %add3A_499 : i32
      %get3A_501 = arith.index_cast %add3A_500 : i32 to index
      %get3A_502 = tpu.vector_load %arg7[%get3A_501] {strides = array<i32>} : memref<98304xf32, #tpu.memory_space<vmem>>, vector<16xf32>,
      %get3A_503 = vector.shape_cast %get3A_502 : vector<16xf32> to vector<16xf32>
      %add3A_504 = arith.addf %add3A_498, %get3A_503 : vector<16xf32>
      %add3A_505 = arith.constant 288 : i32
      %add3A_506 = arith.addi %mul3A_74, %add3A_505 : i32
      %swap3A_507 = arith.index_cast %add3A_506 : i32 to index
      %swap3A_508 = tpu.vector_load %arg9[%swap3A_507] {strides = array<i32>} : memref<8192xf32, #tpu.memory_space<vmem>>, vector<16xf32>,
      %swap3A_509 = vector.shape_cast %swap3A_508 : vector<16xf32> to vector<16xf32>
      %swap3A_510 = vector.shape_cast %add3A_504 : vector<16xf32> to vector<16xf32>
      tpu.vector_store %arg9[%swap3A_507], %swap3A_510 {strides = array<i32>} : memref<8192xf32, #tpu.memory_space<vmem>>, vector<16xf32>,
      %add3A_511 = arith.constant 304 : i32
      %add3A_512 = arith.addi %mul3A_52, %add3A_511 : i32
      %get3A_513 = arith.index_cast %add3A_512 : i32 to index
      %get3A_514 = tpu.vector_load %arg7[%get3A_513] {strides = array<i32>} : memref<98304xf32, #tpu.memory_space<vmem>>, vector<16xf32>,
      %get3A_515 = vector.shape_cast %get3A_514 : vector<16xf32> to vector<16xf32>
      %add3A_516 = arith.constant 304 : i32
      %add3A_517 = arith.addi %mul3A_62, %add3A_516 : i32
      %get3A_518 = arith.index_cast %add3A_517 : i32 to index
      %get3A_519 = tpu.vector_load %arg7[%get3A_518] {strides = array<i32>} : memref<98304xf32, #tpu.memory_space<vmem>>, vector<16xf32>,
      %get3A_520 = vector.shape_cast %get3A_519 : vector<16xf32> to vector<16xf32>
      %add3A_521 = arith.addf %get3A_515, %get3A_520 : vector<16xf32>
      %add3A_522 = arith.constant 304 : i32
      %add3A_523 = arith.addi %mul3A_72, %add3A_522 : i32
      %get3A_524 = arith.index_cast %add3A_523 : i32 to index
      %get3A_525 = tpu.vector_load %arg7[%get3A_524] {strides = array<i32>} : memref<98304xf32, #tpu.memory_space<vmem>>, vector<16xf32>,
      %get3A_526 = vector.shape_cast %get3A_525 : vector<16xf32> to vector<16xf32>
      %add3A_527 = arith.addf %add3A_521, %get3A_526 : vector<16xf32>
      %add3A_528 = arith.constant 304 : i32
      %add3A_529 = arith.addi %mul3A_74, %add3A_528 : i32
      %swap3A_530 = arith.index_cast %add3A_529 : i32 to index
      %swap3A_531 = tpu.vector_load %arg9[%swap3A_530] {strides = array<i32>} : memref<8192xf32, #tpu.memory_space<vmem>>, vector<16xf32>,
      %swap3A_532 = vector.shape_cast %swap3A_531 : vector<16xf32> to vector<16xf32>
      %swap3A_533 = vector.shape_cast %add3A_527 : vector<16xf32> to vector<16xf32>
      tpu.vector_store %arg9[%swap3A_530], %swap3A_533 {strides = array<i32>} : memref<8192xf32, #tpu.memory_space<vmem>>, vector<16xf32>,
      %add3A_534 = arith.constant 320 : i32
      %add3A_535 = arith.addi %mul3A_52, %add3A_534 : i32
      %get3A_536 = arith.index_cast %add3A_535 : i32 to index
      %get3A_537 = tpu.vector_load %arg7[%get3A_536] {strides = array<i32>} : memref<98304xf32, #tpu.memory_space<vmem>>, vector<16xf32>,
      %get3A_538 = vector.shape_cast %get3A_537 : vector<16xf32> to vector<16xf32>
      %add3A_539 = arith.constant 320 : i32
      %add3A_540 = arith.addi %mul3A_62, %add3A_539 : i32
      %get3A_541 = arith.index_cast %add3A_540 : i32 to index
      %get3A_542 = tpu.vector_load %arg7[%get3A_541] {strides = array<i32>} : memref<98304xf32, #tpu.memory_space<vmem>>, vector<16xf32>,
      %get3A_543 = vector.shape_cast %get3A_542 : vector<16xf32> to vector<16xf32>
      %add3A_544 = arith.addf %get3A_538, %get3A_543 : vector<16xf32>
      %add3A_545 = arith.constant 320 : i32
      %add3A_546 = arith.addi %mul3A_72, %add3A_545 : i32
      %get3A_547 = arith.index_cast %add3A_546 : i32 to index
      %get3A_548 = tpu.vector_load %arg7[%get3A_547] {strides = array<i32>} : memref<98304xf32, #tpu.memory_space<vmem>>, vector<16xf32>,
      %get3A_549 = vector.shape_cast %get3A_548 : vector<16xf32> to vector<16xf32>
      %add3A_550 = arith.addf %add3A_544, %get3A_549 : vector<16xf32>
      %add3A_551 = arith.constant 320 : i32
      %add3A_552 = arith.addi %mul3A_74, %add3A_551 : i32
      %swap3A_553 = arith.index_cast %add3A_552 : i32 to index
      %swap3A_554 = tpu.vector_load %arg9[%swap3A_553] {strides = array<i32>} : memref<8192xf32, #tpu.memory_space<vmem>>, vector<16xf32>,
      %swap3A_555 = vector.shape_cast %swap3A_554 : vector<16xf32> to vector<16xf32>
      %swap3A_556 = vector.shape_cast %add3A_550 : vector<16xf32> to vector<16xf32>
      tpu.vector_store %arg9[%swap3A_553], %swap3A_556 {strides = array<i32>} : memref<8192xf32, #tpu.memory_space<vmem>>, vector<16xf32>,
      %add3A_557 = arith.constant 336 : i32
      %add3A_558 = arith.addi %mul3A_52, %add3A_557 : i32
      %get3A_559 = arith.index_cast %add3A_558 : i32 to index
      %get3A_560 = tpu.vector_load %arg7[%get3A_559] {strides = array<i32>} : memref<98304xf32, #tpu.memory_space<vmem>>, vector<16xf32>,
      %get3A_561 = vector.shape_cast %get3A_560 : vector<16xf32> to vector<16xf32>
      %add3A_562 = arith.constant 336 : i32
      %add3A_563 = arith.addi %mul3A_62, %add3A_562 : i32
      %get3A_564 = arith.index_cast %add3A_563 : i32 to index
      %get3A_565 = tpu.vector_load %arg7[%get3A_564] {strides = array<i32>} : memref<98304xf32, #tpu.memory_space<vmem>>, vector<16xf32>,
      %get3A_566 = vector.shape_cast %get3A_565 : vector<16xf32> to vector<16xf32>
      %add3A_567 = arith.addf %get3A_561, %get3A_566 : vector<16xf32>
      %add3A_568 = arith.constant 336 : i32
      %add3A_569 = arith.addi %mul3A_72, %add3A_568 : i32
      %get3A_570 = arith.index_cast %add3A_569 : i32 to index
      %get3A_571 = tpu.vector_load %arg7[%get3A_570] {strides = array<i32>} : memref<98304xf32, #tpu.memory_space<vmem>>, vector<16xf32>,
      %get3A_572 = vector.shape_cast %get3A_571 : vector<16xf32> to vector<16xf32>
      %add3A_573 = arith.addf %add3A_567, %get3A_572 : vector<16xf32>
      %add3A_574 = arith.constant 336 : i32
      %add3A_575 = arith.addi %mul3A_74, %add3A_574 : i32
      %swap3A_576 = arith.index_cast %add3A_575 : i32 to index
      %swap3A_577 = tpu.vector_load %arg9[%swap3A_576] {strides = array<i32>} : memref<8192xf32, #tpu.memory_space<vmem>>, vector<16xf32>,
      %swap3A_578 = vector.shape_cast %swap3A_577 : vector<16xf32> to vector<16xf32>
      %swap3A_579 = vector.shape_cast %add3A_573 : vector<16xf32> to vector<16xf32>
      tpu.vector_store %arg9[%swap3A_576], %swap3A_579 {strides = array<i32>} : memref<8192xf32, #tpu.memory_space<vmem>>, vector<16xf32>,
      %add3A_580 = arith.constant 352 : i32
      %add3A_581 = arith.addi %mul3A_52, %add3A_580 : i32
      %get3A_582 = arith.index_cast %add3A_581 : i32 to index
      %get3A_583 = tpu.vector_load %arg7[%get3A_582] {strides = array<i32>} : memref<98304xf32, #tpu.memory_space<vmem>>, vector<16xf32>,
      %get3A_584 = vector.shape_cast %get3A_583 : vector<16xf32> to vector<16xf32>
      %add3A_585 = arith.constant 352 : i32
      %add3A_586 = arith.addi %mul3A_62, %add3A_585 : i32
      %get3A_587 = arith.index_cast %add3A_586 : i32 to index
      %get3A_588 = tpu.vector_load %arg7[%get3A_587] {strides = array<i32>} : memref<98304xf32, #tpu.memory_space<vmem>>, vector<16xf32>,
      %get3A_589 = vector.shape_cast %get3A_588 : vector<16xf32> to vector<16xf32>
      %add3A_590 = arith.addf %get3A_584, %get3A_589 : vector<16xf32>
      %add3A_591 = arith.constant 352 : i32
      %add3A_592 = arith.addi %mul3A_72, %add3A_591 : i32
      %get3A_593 = arith.index_cast %add3A_592 : i32 to index
      %get3A_594 = tpu.vector_load %arg7[%get3A_593] {strides = array<i32>} : memref<98304xf32, #tpu.memory_space<vmem>>, vector<16xf32>,
      %get3A_595 = vector.shape_cast %get3A_594 : vector<16xf32> to vector<16xf32>
      %add3A_596 = arith.addf %add3A_590, %get3A_595 : vector<16xf32>
      %add3A_597 = arith.constant 352 : i32
      %add3A_598 = arith.addi %mul3A_74, %add3A_597 : i32
      %swap3A_599 = arith.index_cast %add3A_598 : i32 to index
      %swap3A_600 = tpu.vector_load %arg9[%swap3A_599] {strides = array<i32>} : memref<8192xf32, #tpu.memory_space<vmem>>, vector<16xf32>,
      %swap3A_601 = vector.shape_cast %swap3A_600 : vector<16xf32> to vector<16xf32>
      %swap3A_602 = vector.shape_cast %add3A_596 : vector<16xf32> to vector<16xf32>
      tpu.vector_store %arg9[%swap3A_599], %swap3A_602 {strides = array<i32>} : memref<8192xf32, #tpu.memory_space<vmem>>, vector<16xf32>,
      %add3A_603 = arith.constant 368 : i32
      %add3A_604 = arith.addi %mul3A_52, %add3A_603 : i32
      %get3A_605 = arith.index_cast %add3A_604 : i32 to index
      %get3A_606 = tpu.vector_load %arg7[%get3A_605] {strides = array<i32>} : memref<98304xf32, #tpu.memory_space<vmem>>, vector<16xf32>,
      %get3A_607 = vector.shape_cast %get3A_606 : vector<16xf32> to vector<16xf32>
      %add3A_608 = arith.constant 368 : i32
      %add3A_609 = arith.addi %mul3A_62, %add3A_608 : i32
      %get3A_610 = arith.index_cast %add3A_609 : i32 to index
      %get3A_611 = tpu.vector_load %arg7[%get3A_610] {strides = array<i32>} : memref<98304xf32, #tpu.memory_space<vmem>>, vector<16xf32>,
      %get3A_612 = vector.shape_cast %get3A_611 : vector<16xf32> to vector<16xf32>
      %add3A_613 = arith.addf %get3A_607, %get3A_612 : vector<16xf32>
      %add3A_614 = arith.constant 368 : i32
      %add3A_615 = arith.addi %mul3A_72, %add3A_614 : i32
      %get3A_616 = arith.index_cast %add3A_615 : i32 to index
      %get3A_617 = tpu.vector_load %arg7[%get3A_616] {strides = array<i32>} : memref<98304xf32, #tpu.memory_space<vmem>>, vector<16xf32>,
      %get3A_618 = vector.shape_cast %get3A_617 : vector<16xf32> to vector<16xf32>
      %add3A_619 = arith.addf %add3A_613, %get3A_618 : vector<16xf32>
      %add3A_620 = arith.constant 368 : i32
      %add3A_621 = arith.addi %mul3A_74, %add3A_620 : i32
      %swap3A_622 = arith.index_cast %add3A_621 : i32 to index
      %swap3A_623 = tpu.vector_load %arg9[%swap3A_622] {strides = array<i32>} : memref<8192xf32, #tpu.memory_space<vmem>>, vector<16xf32>,
      %swap3A_624 = vector.shape_cast %swap3A_623 : vector<16xf32> to vector<16xf32>
      %swap3A_625 = vector.shape_cast %add3A_619 : vector<16xf32> to vector<16xf32>
      tpu.vector_store %arg9[%swap3A_622], %swap3A_625 {strides = array<i32>} : memref<8192xf32, #tpu.memory_space<vmem>>, vector<16xf32>,
      %add3A_626 = arith.constant 384 : i32
      %add3A_627 = arith.addi %mul3A_52, %add3A_626 : i32
      %get3A_628 = arith.index_cast %add3A_627 : i32 to index
      %get3A_629 = tpu.vector_load %arg7[%get3A_628] {strides = array<i32>} : memref<98304xf32, #tpu.memory_space<vmem>>, vector<16xf32>,
      %get3A_630 = vector.shape_cast %get3A_629 : vector<16xf32> to vector<16xf32>
      %add3A_631 = arith.constant 384 : i32
      %add3A_632 = arith.addi %mul3A_62, %add3A_631 : i32
      %get3A_633 = arith.index_cast %add3A_632 : i32 to index
      %get3A_634 = tpu.vector_load %arg7[%get3A_633] {strides = array<i32>} : memref<98304xf32, #tpu.memory_space<vmem>>, vector<16xf32>,
      %get3A_635 = vector.shape_cast %get3A_634 : vector<16xf32> to vector<16xf32>
      %add3A_636 = arith.addf %get3A_630, %get3A_635 : vector<16xf32>
      %add3A_637 = arith.constant 384 : i32
      %add3A_638 = arith.addi %mul3A_72, %add3A_637 : i32
      %get3A_639 = arith.index_cast %add3A_638 : i32 to index
      %get3A_640 = tpu.vector_load %arg7[%get3A_639] {strides = array<i32>} : memref<98304xf32, #tpu.memory_space<vmem>>, vector<16xf32>,
      %get3A_641 = vector.shape_cast %get3A_640 : vector<16xf32> to vector<16xf32>
      %add3A_642 = arith.addf %add3A_636, %get3A_641 : vector<16xf32>
      %add3A_643 = arith.constant 384 : i32
      %add3A_644 = arith.addi %mul3A_74, %add3A_643 : i32
      %swap3A_645 = arith.index_cast %add3A_644 : i32 to index
      %swap3A_646 = tpu.vector_load %arg9[%swap3A_645] {strides = array<i32>} : memref<8192xf32, #tpu.memory_space<vmem>>, vector<16xf32>,
      %swap3A_647 = vector.shape_cast %swap3A_646 : vector<16xf32> to vector<16xf32>
      %swap3A_648 = vector.shape_cast %add3A_642 : vector<16xf32> to vector<16xf32>
      tpu.vector_store %arg9[%swap3A_645], %swap3A_648 {strides = array<i32>} : memref<8192xf32, #tpu.memory_space<vmem>>, vector<16xf32>,
      %add3A_649 = arith.constant 400 : i32
      %add3A_650 = arith.addi %mul3A_52, %add3A_649 : i32
      %get3A_651 = arith.index_cast %add3A_650 : i32 to index
      %get3A_652 = tpu.vector_load %arg7[%get3A_651] {strides = array<i32>} : memref<98304xf32, #tpu.memory_space<vmem>>, vector<16xf32>,
      %get3A_653 = vector.shape_cast %get3A_652 : vector<16xf32> to vector<16xf32>
      %add3A_654 = arith.constant 400 : i32
      %add3A_655 = arith.addi %mul3A_62, %add3A_654 : i32
      %get3A_656 = arith.index_cast %add3A_655 : i32 to index
      %get3A_657 = tpu.vector_load %arg7[%get3A_656] {strides = array<i32>} : memref<98304xf32, #tpu.memory_space<vmem>>, vector<16xf32>,
      %get3A_658 = vector.shape_cast %get3A_657 : vector<16xf32> to vector<16xf32>
      %add3A_659 = arith.addf %get3A_653, %get3A_658 : vector<16xf32>
      %add3A_660 = arith.constant 400 : i32
      %add3A_661 = arith.addi %mul3A_72, %add3A_660 : i32
      %get3A_662 = arith.index_cast %add3A_661 : i32 to index
      %get3A_663 = tpu.vector_load %arg7[%get3A_662] {strides = array<i32>} : memref<98304xf32, #tpu.memory_space<vmem>>, vector<16xf32>,
      %get3A_664 = vector.shape_cast %get3A_663 : vector<16xf32> to vector<16xf32>
      %add3A_665 = arith.addf %add3A_659, %get3A_664 : vector<16xf32>
      %add3A_666 = arith.constant 400 : i32
      %add3A_667 = arith.addi %mul3A_74, %add3A_666 : i32
      %swap3A_668 = arith.index_cast %add3A_667 : i32 to index
      %swap3A_669 = tpu.vector_load %arg9[%swap3A_668] {strides = array<i32>} : memref<8192xf32, #tpu.memory_space<vmem>>, vector<16xf32>,
      %swap3A_670 = vector.shape_cast %swap3A_669 : vector<16xf32> to vector<16xf32>
      %swap3A_671 = vector.shape_cast %add3A_665 : vector<16xf32> to vector<16xf32>
      tpu.vector_store %arg9[%swap3A_668], %swap3A_671 {strides = array<i32>} : memref<8192xf32, #tpu.memory_space<vmem>>, vector<16xf32>,
      %add3A_672 = arith.constant 416 : i32
      %add3A_673 = arith.addi %mul3A_52, %add3A_672 : i32
      %get3A_674 = arith.index_cast %add3A_673 : i32 to index
      %get3A_675 = tpu.vector_load %arg7[%get3A_674] {strides = array<i32>} : memref<98304xf32, #tpu.memory_space<vmem>>, vector<16xf32>,
      %get3A_676 = vector.shape_cast %get3A_675 : vector<16xf32> to vector<16xf32>
      %add3A_677 = arith.constant 416 : i32
      %add3A_678 = arith.addi %mul3A_62, %add3A_677 : i32
      %get3A_679 = arith.index_cast %add3A_678 : i32 to index
      %get3A_680 = tpu.vector_load %arg7[%get3A_679] {strides = array<i32>} : memref<98304xf32, #tpu.memory_space<vmem>>, vector<16xf32>,
      %get3A_681 = vector.shape_cast %get3A_680 : vector<16xf32> to vector<16xf32>
      %add3A_682 = arith.addf %get3A_676, %get3A_681 : vector<16xf32>
      %add3A_683 = arith.constant 416 : i32
      %add3A_684 = arith.addi %mul3A_72, %add3A_683 : i32
      %get3A_685 = arith.index_cast %add3A_684 : i32 to index
      %get3A_686 = tpu.vector_load %arg7[%get3A_685] {strides = array<i32>} : memref<98304xf32, #tpu.memory_space<vmem>>, vector<16xf32>,
      %get3A_687 = vector.shape_cast %get3A_686 : vector<16xf32> to vector<16xf32>
      %add3A_688 = arith.addf %add3A_682, %get3A_687 : vector<16xf32>
      %add3A_689 = arith.constant 416 : i32
      %add3A_690 = arith.addi %mul3A_74, %add3A_689 : i32
      %swap3A_691 = arith.index_cast %add3A_690 : i32 to index
      %swap3A_692 = tpu.vector_load %arg9[%swap3A_691] {strides = array<i32>} : memref<8192xf32, #tpu.memory_space<vmem>>, vector<16xf32>,
      %swap3A_693 = vector.shape_cast %swap3A_692 : vector<16xf32> to vector<16xf32>
      %swap3A_694 = vector.shape_cast %add3A_688 : vector<16xf32> to vector<16xf32>
      tpu.vector_store %arg9[%swap3A_691], %swap3A_694 {strides = array<i32>} : memref<8192xf32, #tpu.memory_space<vmem>>, vector<16xf32>,
      %add3A_695 = arith.constant 432 : i32
      %add3A_696 = arith.addi %mul3A_52, %add3A_695 : i32
      %get3A_697 = arith.index_cast %add3A_696 : i32 to index
      %get3A_698 = tpu.vector_load %arg7[%get3A_697] {strides = array<i32>} : memref<98304xf32, #tpu.memory_space<vmem>>, vector<16xf32>,
      %get3A_699 = vector.shape_cast %get3A_698 : vector<16xf32> to vector<16xf32>
      %add3A_700 = arith.constant 432 : i32
      %add3A_701 = arith.addi %mul3A_62, %add3A_700 : i32
      %get3A_702 = arith.index_cast %add3A_701 : i32 to index
      %get3A_703 = tpu.vector_load %arg7[%get3A_702] {strides = array<i32>} : memref<98304xf32, #tpu.memory_space<vmem>>, vector<16xf32>,
      %get3A_704 = vector.shape_cast %get3A_703 : vector<16xf32> to vector<16xf32>
      %add3A_705 = arith.addf %get3A_699, %get3A_704 : vector<16xf32>
      %add3A_706 = arith.constant 432 : i32
      %add3A_707 = arith.addi %mul3A_72, %add3A_706 : i32
      %get3A_708 = arith.index_cast %add3A_707 : i32 to index
      %get3A_709 = tpu.vector_load %arg7[%get3A_708] {strides = array<i32>} : memref<98304xf32, #tpu.memory_space<vmem>>, vector<16xf32>,
      %get3A_710 = vector.shape_cast %get3A_709 : vector<16xf32> to vector<16xf32>
      %add3A_711 = arith.addf %add3A_705, %get3A_710 : vector<16xf32>
      %add3A_712 = arith.constant 432 : i32
      %add3A_713 = arith.addi %mul3A_74, %add3A_712 : i32
      %swap3A_714 = arith.index_cast %add3A_713 : i32 to index
      %swap3A_715 = tpu.vector_load %arg9[%swap3A_714] {strides = array<i32>} : memref<8192xf32, #tpu.memory_space<vmem>>, vector<16xf32>,
      %swap3A_716 = vector.shape_cast %swap3A_715 : vector<16xf32> to vector<16xf32>
      %swap3A_717 = vector.shape_cast %add3A_711 : vector<16xf32> to vector<16xf32>
      tpu.vector_store %arg9[%swap3A_714], %swap3A_717 {strides = array<i32>} : memref<8192xf32, #tpu.memory_space<vmem>>, vector<16xf32>,
      %add3A_718 = arith.constant 448 : i32
      %add3A_719 = arith.addi %mul3A_52, %add3A_718 : i32
      %get3A_720 = arith.index_cast %add3A_719 : i32 to index
      %get3A_721 = tpu.vector_load %arg7[%get3A_720] {strides = array<i32>} : memref<98304xf32, #tpu.memory_space<vmem>>, vector<16xf32>,
      %get3A_722 = vector.shape_cast %get3A_721 : vector<16xf32> to vector<16xf32>
      %add3A_723 = arith.constant 448 : i32
      %add3A_724 = arith.addi %mul3A_62, %add3A_723 : i32
      %get3A_725 = arith.index_cast %add3A_724 : i32 to index
      %get3A_726 = tpu.vector_load %arg7[%get3A_725] {strides = array<i32>} : memref<98304xf32, #tpu.memory_space<vmem>>, vector<16xf32>,
      %get3A_727 = vector.shape_cast %get3A_726 : vector<16xf32> to vector<16xf32>
      %add3A_728 = arith.addf %get3A_722, %get3A_727 : vector<16xf32>
      %add3A_729 = arith.constant 448 : i32
      %add3A_730 = arith.addi %mul3A_72, %add3A_729 : i32
      %get3A_731 = arith.index_cast %add3A_730 : i32 to index
      %get3A_732 = tpu.vector_load %arg7[%get3A_731] {strides = array<i32>} : memref<98304xf32, #tpu.memory_space<vmem>>, vector<16xf32>,
      %get3A_733 = vector.shape_cast %get3A_732 : vector<16xf32> to vector<16xf32>
      %add3A_734 = arith.addf %add3A_728, %get3A_733 : vector<16xf32>
      %add3A_735 = arith.constant 448 : i32
      %add3A_736 = arith.addi %mul3A_74, %add3A_735 : i32
      %swap3A_737 = arith.index_cast %add3A_736 : i32 to index
      %swap3A_738 = tpu.vector_load %arg9[%swap3A_737] {strides = array<i32>} : memref<8192xf32, #tpu.memory_space<vmem>>, vector<16xf32>,
      %swap3A_739 = vector.shape_cast %swap3A_738 : vector<16xf32> to vector<16xf32>
      %swap3A_740 = vector.shape_cast %add3A_734 : vector<16xf32> to vector<16xf32>
      tpu.vector_store %arg9[%swap3A_737], %swap3A_740 {strides = array<i32>} : memref<8192xf32, #tpu.memory_space<vmem>>, vector<16xf32>,
      %add3A_741 = arith.constant 464 : i32
      %add3A_742 = arith.addi %mul3A_52, %add3A_741 : i32
      %get3A_743 = arith.index_cast %add3A_742 : i32 to index
      %get3A_744 = tpu.vector_load %arg7[%get3A_743] {strides = array<i32>} : memref<98304xf32, #tpu.memory_space<vmem>>, vector<16xf32>,
      %get3A_745 = vector.shape_cast %get3A_744 : vector<16xf32> to vector<16xf32>
      %add3A_746 = arith.constant 464 : i32
      %add3A_747 = arith.addi %mul3A_62, %add3A_746 : i32
      %get3A_748 = arith.index_cast %add3A_747 : i32 to index
      %get3A_749 = tpu.vector_load %arg7[%get3A_748] {strides = array<i32>} : memref<98304xf32, #tpu.memory_space<vmem>>, vector<16xf32>,
      %get3A_750 = vector.shape_cast %get3A_749 : vector<16xf32> to vector<16xf32>
      %add3A_751 = arith.addf %get3A_745, %get3A_750 : vector<16xf32>
      %add3A_752 = arith.constant 464 : i32
      %add3A_753 = arith.addi %mul3A_72, %add3A_752 : i32
      %get3A_754 = arith.index_cast %add3A_753 : i32 to index
      %get3A_755 = tpu.vector_load %arg7[%get3A_754] {strides = array<i32>} : memref<98304xf32, #tpu.memory_space<vmem>>, vector<16xf32>,
      %get3A_756 = vector.shape_cast %get3A_755 : vector<16xf32> to vector<16xf32>
      %add3A_757 = arith.addf %add3A_751, %get3A_756 : vector<16xf32>
      %add3A_758 = arith.constant 464 : i32
      %add3A_759 = arith.addi %mul3A_74, %add3A_758 : i32
      %swap3A_760 = arith.index_cast %add3A_759 : i32 to index
      %swap3A_761 = tpu.vector_load %arg9[%swap3A_760] {strides = array<i32>} : memref<8192xf32, #tpu.memory_space<vmem>>, vector<16xf32>,
      %swap3A_762 = vector.shape_cast %swap3A_761 : vector<16xf32> to vector<16xf32>
      %swap3A_763 = vector.shape_cast %add3A_757 : vector<16xf32> to vector<16xf32>
      tpu.vector_store %arg9[%swap3A_760], %swap3A_763 {strides = array<i32>} : memref<8192xf32, #tpu.memory_space<vmem>>, vector<16xf32>,
      %add3A_764 = arith.constant 480 : i32
      %add3A_765 = arith.addi %mul3A_52, %add3A_764 : i32
      %get3A_766 = arith.index_cast %add3A_765 : i32 to index
      %get3A_767 = tpu.vector_load %arg7[%get3A_766] {strides = array<i32>} : memref<98304xf32, #tpu.memory_space<vmem>>, vector<16xf32>,
      %get3A_768 = vector.shape_cast %get3A_767 : vector<16xf32> to vector<16xf32>
      %add3A_769 = arith.constant 480 : i32
      %add3A_770 = arith.addi %mul3A_62, %add3A_769 : i32
      %get3A_771 = arith.index_cast %add3A_770 : i32 to index
      %get3A_772 = tpu.vector_load %arg7[%get3A_771] {strides = array<i32>} : memref<98304xf32, #tpu.memory_space<vmem>>, vector<16xf32>,
      %get3A_773 = vector.shape_cast %get3A_772 : vector<16xf32> to vector<16xf32>
      %add3A_774 = arith.addf %get3A_768, %get3A_773 : vector<16xf32>
      %add3A_775 = arith.constant 480 : i32
      %add3A_776 = arith.addi %mul3A_72, %add3A_775 : i32
      %get3A_777 = arith.index_cast %add3A_776 : i32 to index
      %get3A_778 = tpu.vector_load %arg7[%get3A_777] {strides = array<i32>} : memref<98304xf32, #tpu.memory_space<vmem>>, vector<16xf32>,
      %get3A_779 = vector.shape_cast %get3A_778 : vector<16xf32> to vector<16xf32>
      %add3A_780 = arith.addf %add3A_774, %get3A_779 : vector<16xf32>
      %add3A_781 = arith.constant 480 : i32
      %add3A_782 = arith.addi %mul3A_74, %add3A_781 : i32
      %swap3A_783 = arith.index_cast %add3A_782 : i32 to index
      %swap3A_784 = tpu.vector_load %arg9[%swap3A_783] {strides = array<i32>} : memref<8192xf32, #tpu.memory_space<vmem>>, vector<16xf32>,
      %swap3A_785 = vector.shape_cast %swap3A_784 : vector<16xf32> to vector<16xf32>
      %swap3A_786 = vector.shape_cast %add3A_780 : vector<16xf32> to vector<16xf32>
      tpu.vector_store %arg9[%swap3A_783], %swap3A_786 {strides = array<i32>} : memref<8192xf32, #tpu.memory_space<vmem>>, vector<16xf32>,
      %add3A_787 = arith.constant 496 : i32
      %add3A_788 = arith.addi %mul3A_52, %add3A_787 : i32
      %get3A_789 = arith.index_cast %add3A_788 : i32 to index
      %get3A_790 = tpu.vector_load %arg7[%get3A_789] {strides = array<i32>} : memref<98304xf32, #tpu.memory_space<vmem>>, vector<16xf32>,
      %get3A_791 = vector.shape_cast %get3A_790 : vector<16xf32> to vector<16xf32>
      %add3A_792 = arith.constant 496 : i32
      %add3A_793 = arith.addi %mul3A_62, %add3A_792 : i32
      %get3A_794 = arith.index_cast %add3A_793 : i32 to index
      %get3A_795 = tpu.vector_load %arg7[%get3A_794] {strides = array<i32>} : memref<98304xf32, #tpu.memory_space<vmem>>, vector<16xf32>,
      %get3A_796 = vector.shape_cast %get3A_795 : vector<16xf32> to vector<16xf32>
      %add3A_797 = arith.addf %get3A_791, %get3A_796 : vector<16xf32>
      %add3A_798 = arith.constant 496 : i32
      %add3A_799 = arith.addi %mul3A_72, %add3A_798 : i32
      %get3A_800 = arith.index_cast %add3A_799 : i32 to index
      %get3A_801 = tpu.vector_load %arg7[%get3A_800] {strides = array<i32>} : memref<98304xf32, #tpu.memory_space<vmem>>, vector<16xf32>,
      %get3A_802 = vector.shape_cast %get3A_801 : vector<16xf32> to vector<16xf32>
      %add3A_803 = arith.addf %add3A_797, %get3A_802 : vector<16xf32>
      %add3A_804 = arith.constant 496 : i32
      %add3A_805 = arith.addi %mul3A_74, %add3A_804 : i32
      %swap3A_806 = arith.index_cast %add3A_805 : i32 to index
      %swap3A_807 = tpu.vector_load %arg9[%swap3A_806] {strides = array<i32>} : memref<8192xf32, #tpu.memory_space<vmem>>, vector<16xf32>,
      %swap3A_808 = vector.shape_cast %swap3A_807 : vector<16xf32> to vector<16xf32>
      %swap3A_809 = vector.shape_cast %add3A_803 : vector<16xf32> to vector<16xf32>
      tpu.vector_store %arg9[%swap3A_806], %swap3A_809 {strides = array<i32>} : memref<8192xf32, #tpu.memory_space<vmem>>, vector<16xf32>,
    }
    %scan3A_43 = arith.constant 16 : i32
    %mul3A_44 = arith.constant 16 : i32
    %mul3A_45 = arith.muli %add3A, %mul3A_44 : i32
    %mul3A_46 = arith.constant 512 : i32
    %mul3A_47 = arith.muli %mul3A_45, %mul3A_46 : i32
    "tpu.region"() ({
      %run_scoped3A = tpu.sem_alloc : memref<!tpu.dma_semaphore, #tpu.memory_space<semaphore_mem>>
      %dma_start3A_48 = tpu.memref_slice %arg6[%mul3A_47] : memref<262144xf32, #tpu.memory_space<hbm>> -> memref<8192xf32, #tpu.memory_space<hbm>>
      %dma_start3A_49 = tpu.memref_slice %arg6[%mul3A_47] : memref<262144xf32, #tpu.memory_space<hbm>> -> memref<8192xf32, #tpu.memory_space<hbm>>
      tpu.enqueue_dma source(%arg9 : memref<8192xf32, #tpu.memory_space<vmem>>) target(%dma_start3A_49 : memref<8192xf32, #tpu.memory_space<hbm>>) target_semaphore(%run_scoped3A : memref<!tpu.dma_semaphore, #tpu.memory_space<semaphore_mem>>)
      %dma_wait3A_50 = tpu.memref_slice %arg6[%mul3A_47] : memref<262144xf32, #tpu.memory_space<hbm>> -> memref<8192xf32, #tpu.memory_space<hbm>>
      %dma_wait3A_51 = tpu.memref_slice %arg6[%mul3A_47] : memref<262144xf32, #tpu.memory_space<hbm>> -> memref<8192xf32, #tpu.memory_space<hbm>>
      tpu.wait_dma2 semaphore(%run_scoped3A : memref<!tpu.dma_semaphore, #tpu.memory_space<semaphore_mem>>) src(%arg9 : memref<8192xf32, #tpu.memory_space<vmem>>) dst(%dma_wait3A_51 : memref<8192xf32, #tpu.memory_space<hbm>>)
      tpu.yield
    }) : () -> ()
    return
  }
}

module attributes {stable_mosaic.version = 14 : i64} {
  func.func @body(%arg0: i32, %arg1: memref<64x32x512xf32, #tpu.memory_space<vmem>>, %arg2: memref<1x3x64xi32, #tpu.memory_space<vmem>>, %arg3: memref<192x512xf32, #tpu.memory_space<vmem>>, %arg4: memref<64x32x512xf32, #tpu.memory_space<vmem>>) attributes {dimension_semantics = [#tpu.dimension_semantics<arbitrary>], iteration_bounds = array<i64: 24>, scalar_prefetch = 0 : i64, scratch_operands = 0 : i64, tpu.core_type = #tpu.core_type<tc>, window_params = [{transform_indices = @transform_0, window_bounds = array<i64: 64, 32, 512>}, {transform_indices = @transform_1, window_bounds = array<i64: 1, 3, 64>}, {pipeline_mode = #tpu.pipeline_mode<synchronous>, transform_indices = @transform_2, window_bounds = array<i64: 192, 512>}, {transform_indices = @transform_3, window_bounds = array<i64: 64, 32, 512>}]} {
    %iota3A = tpu.iota {dimensions = array<i32: 1>} : vector<64x192xi32>
    %get3A = arith.constant 0 : index
    %get3A_0 = arith.constant 0 : index
    %get3A_1 = arith.constant 0 : index
    %get3A_2 = vector.load %arg2[%get3A, %get3A_0, %get3A_1] : memref<1x3x64xi32, #tpu.memory_space<vmem>>, vector<1x1x64xi32>
    %get3A_3 = vector.shape_cast %get3A_2 : vector<1x1x64xi32> to vector<64xi32>
    %broadcast_in_dim3A = vector.shape_cast %get3A_3 : vector<64xi32> to vector<64x1xi32>
    %eq3A = vector.broadcast %broadcast_in_dim3A : vector<64x1xi32> to vector<64x192xi32>
    %eq3A_4 = arith.cmpi eq, %eq3A, %iota3A : vector<64x192xi32>
    %convert_element_type3A = arith.extui %eq3A_4 : vector<64x192xi1> to vector<64x192xi32>
    %convert_element_type3A_5 = arith.sitofp %convert_element_type3A : vector<64x192xi32> to vector<64x192xf32>
    %get3A_6 = arith.constant 0 : index
    %get3A_7 = arith.constant 1 : index
    %get3A_8 = arith.constant 0 : index
    %get3A_9 = vector.load %arg2[%get3A_6, %get3A_7, %get3A_8] : memref<1x3x64xi32, #tpu.memory_space<vmem>>, vector<1x1x64xi32>
    %get3A_10 = vector.shape_cast %get3A_9 : vector<1x1x64xi32> to vector<64xi32>
    %broadcast_in_dim3A_11 = vector.shape_cast %get3A_10 : vector<64xi32> to vector<64x1xi32>
    %add3A = arith.constant 91 : i32
    %add3A_12 = vector.broadcast %add3A : i32 to vector<64x1xi32>
    %add3A_13 = arith.addi %broadcast_in_dim3A_11, %add3A_12 : vector<64x1xi32>
    %eq3A_14 = vector.broadcast %add3A_13 : vector<64x1xi32> to vector<64x192xi32>
    %eq3A_15 = arith.cmpi eq, %eq3A_14, %iota3A : vector<64x192xi32>
    %convert_element_type3A_16 = arith.extui %eq3A_15 : vector<64x192xi1> to vector<64x192xi32>
    %convert_element_type3A_17 = arith.sitofp %convert_element_type3A_16 : vector<64x192xi32> to vector<64x192xf32>
    %add3A_18 = arith.addf %convert_element_type3A_5, %convert_element_type3A_17 : vector<64x192xf32>
    %get3A_19 = arith.constant 0 : index
    %get3A_20 = arith.constant 2 : index
    %get3A_21 = arith.constant 0 : index
    %get3A_22 = vector.load %arg2[%get3A_19, %get3A_20, %get3A_21] : memref<1x3x64xi32, #tpu.memory_space<vmem>>, vector<1x1x64xi32>
    %get3A_23 = vector.shape_cast %get3A_22 : vector<1x1x64xi32> to vector<64xi32>
    %broadcast_in_dim3A_24 = vector.shape_cast %get3A_23 : vector<64xi32> to vector<64x1xi32>
    %add3A_25 = arith.constant 182 : i32
    %add3A_26 = vector.broadcast %add3A_25 : i32 to vector<64x1xi32>
    %add3A_27 = arith.addi %broadcast_in_dim3A_24, %add3A_26 : vector<64x1xi32>
    %eq3A_28 = vector.broadcast %add3A_27 : vector<64x1xi32> to vector<64x192xi32>
    %eq3A_29 = arith.cmpi eq, %eq3A_28, %iota3A : vector<64x192xi32>
    %convert_element_type3A_30 = arith.extui %eq3A_29 : vector<64x192xi1> to vector<64x192xi32>
    %convert_element_type3A_31 = arith.sitofp %convert_element_type3A_30 : vector<64x192xi32> to vector<64x192xf32>
    %add3A_32 = arith.addf %add3A_18, %convert_element_type3A_31 : vector<64x192xf32>
    %get3A_33 = arith.constant 0 : index
    %get3A_34 = arith.constant 0 : index
    %get3A_35 = vector.load %arg3[%get3A_33, %get3A_34] : memref<192x512xf32, #tpu.memory_space<vmem>>, vector<192x512xf32>
    %dot_general3A = arith.constant dense<0.000000e+00> : vector<64x512xf32>
    %dot_general3A_36 = tpu.matmul %add3A_32, %get3A_35, %dot_general3A {dimension_numbers = #tpu.dot_dimension_numbers<[1], [0], [0], [1], [0, 0, 1, 1], [], []>, precision = #tpu.contract_precision<fp32>, transpose_lhs_hint = false} : vector<64x192xf32>, vector<192x512xf32>, vector<64x512xf32> -> vector<64x512xf32>
    %get3A_37 = arith.constant 0 : index
    %get3A_38 = arith.constant 0 : index
    %get3A_39 = arith.constant 0 : index
    %get3A_40 = vector.load %arg1[%get3A_37, %get3A_38, %get3A_39] : memref<64x32x512xf32, #tpu.memory_space<vmem>>, vector<64x32x512xf32>
    %broadcast_in_dim3A_41 = vector.shape_cast %dot_general3A_36 : vector<64x512xf32> to vector<64x1x512xf32>
    %add3A_42 = vector.broadcast %broadcast_in_dim3A_41 : vector<64x1x512xf32> to vector<64x32x512xf32>
    %add3A_43 = arith.addf %get3A_40, %add3A_42 : vector<64x32x512xf32>
    %swap3A = arith.constant 0 : index
    %swap3A_44 = arith.constant 0 : index
    %swap3A_45 = arith.constant 0 : index
    %swap3A_46 = vector.load %arg4[%swap3A, %swap3A_44, %swap3A_45] : memref<64x32x512xf32, #tpu.memory_space<vmem>>, vector<64x32x512xf32>
    tpu.vector_store %arg4[%swap3A, %swap3A_44, %swap3A_45], %add3A_43 {strides = array<i32>} : memref<64x32x512xf32, #tpu.memory_space<vmem>>, vector<64x32x512xf32>,
    return
  }
  func.func @transform_0(%arg0: i32) -> (i32, i32, i32) {
    %c0_i32 = arith.constant 0 : i32
    %c0_i32_0 = arith.constant 0 : i32
    %c0_i32_1 = arith.constant 0 : i32
    return %arg0, %c0_i32, %c0_i32_0 : i32, i32, i32
  }
  func.func @transform_1(%arg0: i32) -> (i32, i32, i32) {
    %c0_i32 = arith.constant 0 : i32
    %c0_i32_0 = arith.constant 0 : i32
    %c0_i32_1 = arith.constant 0 : i32
    return %arg0, %c0_i32, %c0_i32_0 : i32, i32, i32
  }
  func.func @transform_2(%arg0: i32) -> (i32, i32) {
    %c0_i32 = arith.constant 0 : i32
    %c0_i32_0 = arith.constant 0 : i32
    %c0_i32_1 = arith.constant 0 : i32
    return %c0_i32, %c0_i32_0 : i32, i32
  }
  func.func @transform_3(%arg0: i32) -> (i32, i32, i32) {
    %c0_i32 = arith.constant 0 : i32
    %c0_i32_0 = arith.constant 0 : i32
    %c0_i32_1 = arith.constant 0 : i32
    return %arg0, %c0_i32, %c0_i32_0 : i32, i32, i32
  }
}

module attributes {stable_mosaic.version = 14 : i64} {
  func.func @_tc2_body(%arg0: i32, %arg1: memref<64x32x512xf32, #tpu.memory_space<vmem>>, %arg2: memref<64x512xf32, #tpu.memory_space<vmem>>, %arg3: memref<2026x32x512xf32, #tpu.memory_space<any>>, %arg4: memref<64x32x512xf32, #tpu.memory_space<vmem>>) attributes {dimension_semantics = [#tpu.dimension_semantics<arbitrary>], iteration_bounds = array<i64: 8>, scalar_prefetch = 0 : i64, scratch_operands = 0 : i64, tpu.core_type = #tpu.core_type<tc>, window_params = [{transform_indices = @transform_0, window_bounds = array<i64: 64, 32, 512>}, {transform_indices = @transform_1, window_bounds = array<i64: 64, 512>}, {}, {transform_indices = @transform_3, window_bounds = array<i64: 64, 32, 512>}]} {
    %get3A = arith.constant 0 : index
    %get3A_0 = arith.constant 0 : index
    %get3A_1 = arith.constant 0 : index
    %get3A_2 = vector.load %arg1[%get3A, %get3A_0, %get3A_1] : memref<64x32x512xf32, #tpu.memory_space<vmem>>, vector<64x32x512xf32>
    %get3A_3 = arith.constant 0 : index
    %get3A_4 = arith.constant 0 : index
    %get3A_5 = vector.load %arg2[%get3A_3, %get3A_4] : memref<64x512xf32, #tpu.memory_space<vmem>>, vector<64x512xf32>
    %broadcast_in_dim3A = vector.shape_cast %get3A_5 : vector<64x512xf32> to vector<64x1x512xf32>
    %add3A = vector.broadcast %broadcast_in_dim3A : vector<64x1x512xf32> to vector<64x32x512xf32>
    %add3A_6 = arith.addf %get3A_2, %add3A : vector<64x32x512xf32>
    %swap3A = arith.constant 0 : index
    %swap3A_7 = arith.constant 0 : index
    %swap3A_8 = arith.constant 0 : index
    %swap3A_9 = vector.load %arg4[%swap3A, %swap3A_7, %swap3A_8] : memref<64x32x512xf32, #tpu.memory_space<vmem>>, vector<64x32x512xf32>
    tpu.vector_store %arg4[%swap3A, %swap3A_7, %swap3A_8], %add3A_6 {strides = array<i32>} : memref<64x32x512xf32, #tpu.memory_space<vmem>>, vector<64x32x512xf32>,
    return
  }
  func.func @transform_0(%arg0: i32) -> (i32, i32, i32) {
    %add3A = arith.constant 24 : i32
    %add3A_0 = arith.addi %arg0, %add3A : i32
    %c0_i32 = arith.constant 0 : i32
    %c0_i32_1 = arith.constant 0 : i32
    %c0_i32_2 = arith.constant 0 : i32
    return %add3A_0, %c0_i32, %c0_i32_1 : i32, i32, i32
  }
  func.func @transform_1(%arg0: i32) -> (i32, i32) {
    %c0_i32 = arith.constant 0 : i32
    %c0_i32_0 = arith.constant 0 : i32
    return %arg0, %c0_i32 : i32, i32
  }
  func.func @transform_3(%arg0: i32) -> (i32, i32, i32) {
    %add3A = arith.constant 24 : i32
    %add3A_0 = arith.addi %arg0, %add3A : i32
    %c0_i32 = arith.constant 0 : i32
    %c0_i32_1 = arith.constant 0 : i32
    %c0_i32_2 = arith.constant 0 : i32
    return %add3A_0, %c0_i32, %c0_i32_1 : i32, i32, i32
  }
}

</mosaic_0001>

<sc_bundles>
// kernel: kernel.5.cloned.1.call-start
scs
__scs_entry_jumppad:
0x0: {  	(pc) =	sbr.rel $0x88, $3  }
0x1: {  	(tag) =	ssettag $0x0;
	lr =	simm.s32 $0x1  }
0x2: {  	[smem:$0x3F9A] =	sst lr;
	_ =	strace $0xD0000000  }
0x3: {  	_ = 	snop  }
0x4: {  	_ = 	snop  }
0x5: {  	_ = 	snop  }
0x6: {  	_ = 	snop  }
0x7: {  	_ = 	snop  }
__scs_overlays_trampoline_lowered:
0x8: {  	[smem:$0x3FA9] =	sst s0  }
0x9: {  	[smem:$0x3FAA] =	sst s1  }
0xa: {  	[smem:$0x3FAB] =	sst s2  }
0xb: {  	[smem:$0x3FAC] =	sst s3  }
0xc: {  	[smem:$0x3FAD] =	sst s4  }
0xd: {  	[smem:$0x3FAE] =	sst s5  }
0xe: {  	[smem:$0x3FAF] =	sst s6  }
0xf: {  	[smem:$0x3FB0] =	sst s7  }
0x10: {  	[smem:$0x3FB1] =	sst s8  }
0x11: {  	[smem:$0x3FB2] =	sst s9;
	s0 =	simm.s32 @!p0 $0x0  }
0x12: {  	s1 =	sld [smem:$0x3F98];
	s0 =	simm.s32 @p0 $0x1  }
0x13: {  	[smem:$0x3FB3] =	sst s0;
	s0 =	simm.s32 @!p1 $0x0  }
0x14: {  	s2 =	sld [smem:$0x3F97];
	s0 =	simm.s32 @p1 $0x1  }
0x15: {  	[smem:$0x3FB4] =	sst s0;
	s0 =	simm.s32 @!p2 $0x0  }
0x16: {  	s3 =	sld [smem:$0x3FDB];
	s0 =	simm.s32 @p2 $0x1  }
0x17: {  	s4 =	simm.s32 $0x1BF5;
	[smem:$0x3FB6] =	sst s0  }
0x18: {  	s0 =	sld [smem:$0x3F99];
	_ =	swait.ge [sflag:s4], $0x0  }
0x19: {  	s7 =	sld [smem:$0x3F9A]  }
0x1a: {  	s8 =	sadd.s32 $0xFFFFE003, lr  }
0x1b: {  	s9 =	sadd.s32 $0xFFFFFEF7, lr;
	s5 =	simm.s32 $0xFFFFFFFF;
	p2 =	slt.u32 s8, $0xFFFFF086  }
0x1c: {  	p1 =	slt.u32 s9, $0xF7A;
	s5 =	simm.s32 @!p2 $0x0  }
0x1d: {  	s5 =	simm.s32 @p1 $0x1;
	p0 =	seq.s32 s7, s2  }
0x1e: {  	s7 =	smul.u32 @!p0 $0xF7A, s2;
	p2 =	seq.s32 @!p0 s5, $0x0  }
0x1f: {  	s9 =	smul.u32 $0xF7A, s1;
	s8 =	simm.s32 @!p0 $0x1BF5;
	p2 =	por !p2, p0  }
0x20: {  	[sflag:s8] =	ssyncset.s32 @!p0 $0xFFFFF086;
	s6 =	sadd.s32 @!p0 s3, s7;
	s7 =	simm.s32 @!p0 $0x108  }
0x21: {  	s3 =	sadd.s32 s3, s9;
	s6 =	sadd.s32 @!p0 $0x88, s6;
	s7 =	simm.s32 @p2 $0x1082  }
0x22: {  	[simem:s7], [sflag:s8] =	dma.local @!p0 [hbm:s6], $0xF7A  }
0x23: {  	s9 =	sor.u32 $0xD0000000, s2;
	s6 =	simm.s32 $0x108;
	_ =	swait.ge @!p0 [sflag:s8], $0x0  }
0x24: {  	s3 =	sadd.s32 $0x88, s3;
	s6 =	simm.s32 @!p1 $0x1082;
	[sflag:s4] =	ssyncset.s32 $0xFFFFF086  }
0x25: {  	[simem:s6], [sflag:s4] =	dma.local [hbm:s3], $0xF7A  }
0x26: {  	[smem:$0x3F9A] =	sst s1;
	(tag) =	ssettag s2;
	_ =	strace s9  }
0x27: {  	s1 =	sld [smem:$0x3FAA]  }
0x28: {  	s2 =	sld [smem:$0x3FAB]  }
0x29: {  	s4 =	sld [smem:$0x3FAD]  }
0x2a: {  	p0 =	seq.s32 s5, $0x0;
	s5 =	sld [smem:$0x3FAE]  }
0x2b: {  	s6 =	sld [smem:$0x3FAF]  }
0x2c: {  	s7 =	sld [smem:$0x3FB0]  }
0x2d: {  	s3 =	simm.s32 $0x108;
	s8 =	sld [smem:$0x3FB1]  }
0x2e: {  	s3 =	simm.s32 @!p0 $0x1082;
	s9 =	sld [smem:$0x3FB2]  }
0x2f: {  	lr =	sadd.s32 s0, s3;
	s0 =	sld [smem:$0x3FA9]  }
0x30: {  	s3 =	sld [smem:$0x3FAC]  }
0x31: {  	[smem:$0x3FB5] =	sst s10  }
0x32: {  	s10 =	sld [smem:$0x3FB3];
	_ =	sdelay $0x3  }
0x33: {  	p0 =	seq.s32 s10, $0x1;
	s10 =	sld [smem:$0x3FB5];
	_ =	sdelay $0x3  }
0x34: {  	[smem:$0x3FB5] =	sst s10  }
0x35: {  	s10 =	sld [smem:$0x3FB4];
	_ =	sdelay $0x3  }
0x36: {  	p1 =	seq.s32 s10, $0x1;
	s10 =	sld [smem:$0x3FB5];
	_ =	sdelay $0x3  }
0x37: {  	[smem:$0x3FB5] =	sst s10  }
0x38: {  	s10 =	sld [smem:$0x3FB6]  }
0x39: {  	_ = 	snop;
	(pc) =	sbr.ind lr, $3  }
0x3a: {  	_ = 	snop  }
0x3b: {  	_ = 	snop  }
0x3c: {  	p2 =	seq.s32 s10, $0x1;
	s10 =	sld [smem:$0x3FB5]  }
0x3d: {  	_ =	shalt  }
0x3e: {  	_ =	shalt  }
0x3f: {  	_ =	shalt  }
0x40: {  	_ =	shalt  }
0x41: {  	_ =	shalt  }
0x42: {  	_ =	shalt  }
0x43: {  	_ =	shalt  }
0x44: {  	_ =	shalt  }
0x45: {  	_ =	shalt  }
0x46: {  	_ =	shalt  }
0x47: {  	_ =	shalt  }
0x48: {  	_ =	shalt  }
0x49: {  	_ =	shalt  }
0x4a: {  	_ =	shalt  }
0x4b: {  	_ =	shalt  }
0x4c: {  	_ =	shalt  }
0x4d: {  	_ =	shalt  }
0x4e: {  	_ =	shalt  }
0x4f: {  	_ =	shalt  }
0x50: {  	_ =	shalt  }
0x51: {  	_ =	shalt  }
0x52: {  	_ =	shalt  }
0x53: {  	_ =	shalt  }
0x54: {  	_ =	shalt  }
0x55: {  	_ =	shalt  }
0x56: {  	_ =	shalt  }
0x57: {  	_ =	shalt  }
0x58: {  	_ =	shalt  }
0x59: {  	_ =	shalt  }
0x5a: {  	_ =	shalt  }
0x5b: {  	_ =	shalt  }
0x5c: {  	_ =	shalt  }
0x5d: {  	_ =	shalt  }
0x5e: {  	_ =	shalt  }
0x5f: {  	_ =	shalt  }
0x60: {  	_ =	shalt  }
0x61: {  	_ =	shalt  }
0x62: {  	_ =	shalt  }
0x63: {  	_ =	shalt  }
0x64: {  	_ =	shalt  }
0x65: {  	_ =	shalt  }
0x66: {  	_ =	shalt  }
0x67: {  	_ =	shalt  }
0x68: {  	_ =	shalt  }
0x69: {  	_ =	shalt  }
0x6a: {  	_ =	shalt  }
0x6b: {  	_ =	shalt  }
0x6c: {  	_ =	shalt  }
0x6d: {  	_ =	shalt  }
0x6e: {  	_ =	shalt  }
0x6f: {  	_ =	shalt  }
0x70: {  	_ =	shalt  }
0x71: {  	_ =	shalt  }
0x72: {  	_ =	shalt  }
0x73: {  	_ =	shalt  }
0x74: {  	_ =	shalt  }
0x75: {  	_ =	shalt  }
0x76: {  	_ =	shalt  }
0x77: {  	_ =	shalt  }
0x78: {  	_ =	shalt  }
0x79: {  	_ =	shalt  }
0x7a: {  	_ =	shalt  }
0x7b: {  	_ =	shalt  }
0x7c: {  	_ =	shalt  }
0x7d: {  	_ =	shalt  }
0x7e: {  	_ =	shalt  }
0x7f: {  	_ =	shalt  }
0x80: {  	_ =	shalt  }
0x81: {  	_ =	shalt  }
0x82: {  	_ =	shalt  }
0x83: {  	_ =	shalt  }
0x84: {  	_ =	shalt  }
0x85: {  	_ =	shalt  }
0x86: {  	_ =	shalt  }
0x87: {  	_ =	shalt  }
.Lfunc_end0:
.L_simem_size_0:
called_computation_lowered:
.L_overlay_start_0:
0x88: {  	s2 =	sld [smem:$0x3FD9]  }
0x89: {  	s3 =	sld [smem:$0x3FFE];
	_ =	sdelay $0x1  }
0x8a: {  	s1 =	srdreg.scid  }
0x8b: {  	s0 =	sand.u32 $0x1, s1  }
0x8c: {  	s16 =	sshll.u32 s0, $0xA;
	s2 =	sadd.s32 s3, s2  }
0x8d: {  	s2 =	sadd.s32 s2, s16  }
0x8e: {  	[smem:$0x3FC1] =	sst s2  }
0x8f: {  	_ = 	snop  }
0x90: {  	(tm) =	ssettm $0x1  }
0x91: {  	s17 =	sld [smem:$0x3FFB];
	_ =	sdelay $0x3  }
0x92: {  	_ =	strace s17  }
0x93: {  	s2 =	sld [smem:$0x3FFC];
	_ =	sdelay $0x3  }
0x94: {  	_ =	strace s2  }
0x95: {  	s2 =	sld [smem:$0x3FFD];
	_ =	sdelay $0x3  }
0x96: {  	_ =	strace s2  }
0x97: {  	_ =	strace $0x8FFFFFFF  }
0x98: {  	s18 =	sld [smem:$0x3FDB];
	_ =	sdelay $0x1  }
0x99: {  	s19 =	simm.s32 $_scs_section_size  }
0x9a: {  	s4 =	simm.s32 $_size__tile_overlayer_lowered;
	s5 =	simm.s32 $_tile_overlayer_lowered  }
0x9b: {  	s22 =	simm.s32 $0x1BFF;
	s21 =	sshll.u32 s5, $0x1;
	s2 =	sadd.s32 s19, s18  }
0x9c: {  	s6 =	simm.s32 $0x0;
	s20 =	sshll.u32 s4, $0x1;
	s4 =	sadd.s32 s21, s2  }
0x9d: {  	[timem:s6], [sflag:s22] =	dma.local [hbm:s4], s20  }
0x9e: {  	_ =	swait.ge [sflag:s22], s20  }
0x9f: {  	s3 =	ssub.s32 $0x0, s20;
	[sflag:s22] =	ssyncset.done $0x0  }
0xa0: {  	[sflag:s22] =	ssyncadd.s32 s3;
	_ =	sdelay $0x1  }
0xa1: {  	s23 =	simm.s32 $0x1B8B  }
0xa2: {  	_ =	swait.ge [sflag:s23], $0x1  }
0xa3: {  	[sflag:s23] =	ssyncset.done $0x0  }
0xa4: {  	s25 =	simm.s32 $0x1B8E;
	s24 =	sld [smem:$0x3FFE];
	[sflag:s23] =	ssyncadd.s32 $0xFFFFFFFF  }
0xa5: {  	s26 =	simm.s32 $execute0_lowered;
	[smem:$0x3FD2] =	sst s25  }
0xa6: {  	s4 =	sshll.u32 s26, $0x1;
	_ =	strace $0x80000046;
	[dreg:$0x1] =	wrdreg $0xFFFFFFFF  }
0xa7: {  	s28 =	simm.s32 $_size_execute0_lowered;
	s2 =	sadd.s32 s2, s4;
	[dreg:$0x0] =	wrdreg $0x0  }
0xa8: {  	s4 =	sshll.u32 s28, $0x1;
	[dreg:$0x2] =	wrdreg s2  }
0xa9: {  	[dreg:$0x3] =	wrdreg s4  }
0xaa: {  	[dreg:$0x4] =	wrdreg $0xC0  }
0xab: {  	_ =	task [dreg:s6], $0x5FFFF  }
0xac: {  	[dreg:$0x1] =	wrdreg $0xFFFFFFFF  }
0xad: {  	[dreg:$0x0] =	wrdreg $0x60  }
0xae: {  	[dreg:$0x2] =	wrdreg s24  }
0xaf: {  	[dreg:$0x3] =	wrdreg $0x9  }
0xb0: {  	_ =	task.clear_ibuf [dreg:s6], $0x4FFFF;
	_ =	strace $0x90000046  }
0xb1: {  	s29 =	simm.s32 $0x9;
	_ =	strace $0x80000048  }
0xb2: {  	_ =	swait.ge [sflag:s29], $0x1  }
0xb3: {  	[sflag:s29] =	ssyncadd.s32 $0xFFFFFFFF  }
0xb4: {  	_ =	strace $0x90000048  }
0xb5: {  	_ =	sfence  }
0xb6: {  	s30 =	sld [smem:$0x0];
	_ =	sdelay $0x2  }
0xb7: {  	s31 =	sshll.u32 s1, $0xD;
	s1 =	sshrl.u32 s1, $0x2  }
0xb8: {  	s3 =	sand.u32 $0x4000, s31;
	s1 =	sadd.s32 s1, s30  }
0xb9: {  	s0 =	sor.u32 s3, s0;
	s1 =	sshll.u32 s1, $0x11  }
0xba: {  	s0 =	sor.u32 s1, s0  }
0xbb: {  	s0 =	sadd.s32 $0x8F2B, s0  }
0xbc: {  	[sflag:s0] =	ssyncadd.remote.s32 $0x1  }
0xbd: {  	_ =	sfence.sel $0xFFFF  }
0xbe: {  	[dreg:$0x0] =	wrdreg $0xFFFFFFFF;
	(pc) =	sbr.abs _section_cstart, $3  }
0xbf: {  	[dreg:$0x1] =	wrdreg $0xFFFFFFFF  }
0xc0: {  	_ =	task.clear_ibuf [dreg:s6], $0x2FFFF;
	_ =	strace $0x9FFFFFFF  }
0xc1: {  	(tm) =	ssettm $0x7FFFFFFF  }
tec
execute0_lowered:
.L_overlay_start_1:
0x0: {  	(tag) =	ssettag $0x1  }
0x1: {  	s4 =	rddreg [dreg:$0x0]  }
0x2: {  	s0 =	rddreg [dreg:$0x1];
	s2 =	simm.s32 $0x0  }
0x3: {  	s3 =	srdreg.scid;
	s1 =	stileid.u32;
	s10 =	simm.s32 $0x18010  }
0x4: {  	s11 =	simm.s32 $0x18020;
	s12 =	simm.s32 $0x1;
	s13 =	simm.s32 $0x18080  }
0x5: {  	s14 =	simm.s32 $0x2;
	s15 =	simm.s32 $0x0;
	[smem:$0x7FF] =	sst s2  }
0x6: {  	s5 =	sand.u32 $0x1, s3;
	s6 =	sshll.u32 s1, $0x1;
	s3 =	sadd.s32 $0xA00, s4  }
0x7: {  	_ =	strace $0x80000047;
	s6 =	sor.u32 s5, s6;
	s5 =	ssub.s32 $0x2, s5  }
0x8: {  	s7 =	sshll.u32 s6, $0x1;
	s6 =	sshll.u32 s6, $0xA;
	s8 =	sshrl.u32 s5, $0x1  }
0x9: {  	s7 =	sadd.s32 s7, s4;
	s9 =	sadd.s32 s6, s4;
	s8 =	ssub.s32 s5, s8  }
0xa: {  	s4 =	sadd.s32 $0x4C0, s7;
	s5 =	sadd.s32 $0x6C0, s7;
	s6 =	sadd.s32 $0x8C0, s7  }
0xb: {  	s7 =	sadd.s32 $0x3A00, s9;
	s8 =	smax.u32 s8, $0x1;
	s9 =	simm.s32 $0x18000  }
.LBB2_1:
0xc: {  	[tilespmem:s2], [sflag:$0x1] =	stream.linear.gather [hbm4b:s3+s2], $0x18000, $0x38;
	[tilespmem:$0x1A080] =	vst v63  }
0xd: {  	_ = 	snop  }
0xe: {  	[tilespmem:s9], [sflag:$0x1] =	stream.linear.gather [hbm4b:s4+s2], $0x10, $0x38;
	[tilespmem:$0x1A080] =	vst v63  }
0xf: {  	_ = 	snop  }
0x10: {  	[tilespmem:s10], [sflag:$0x1] =	stream.linear.gather [hbm4b:s5+s2], $0x10, $0x38;
	[tilespmem:$0x1A080] =	vst v63  }
0x11: {  	_ = 	snop  }
0x12: {  	[tilespmem:s11], [sflag:$0x1] =	stream.linear.gather [hbm4b:s6+s2], $0x10, $0x38;
	[tilespmem:$0x1A080] =	vst v63  }
0x13: {  	_ =	swait.ge [sflag:s12], $0x18000  }
0x14: {  	[sflag:s12] =	ssyncset.done $0x0  }
0x15: {  	[sflag:s12] =	ssyncadd.s32 $0xFFFE8000  }
0x16: {  	_ =	swait.ge [sflag:s12], $0x10  }
0x17: {  	[sflag:s12] =	ssyncset.done $0x0  }
0x18: {  	[sflag:s12] =	ssyncadd.s32 $0xFFFFFFF0  }
0x19: {  	_ =	swait.ge [sflag:s12], $0x10  }
0x1a: {  	[sflag:s12] =	ssyncset.done $0x0  }
0x1b: {  	[sflag:s12] =	ssyncadd.s32 $0xFFFFFFF0  }
0x1c: {  	_ =	swait.ge [sflag:s12], $0x10  }
0x1d: {  	[sflag:s12] =	ssyncset.done $0x0  }
0x1e: {  	s16 =	simm.s32 $0x18180;
	s17 =	simm.s32 $0x0;
	[sflag:s12] =	ssyncadd.s32 $0xFFFFFFF0  }
.LBB2_2:
0x1f: {  	s18 =	sshra.s32 s17, $0x2  }
0x20: {  	v0 =	vld.msk [tilespmem:s18+$0x18000], $0x1  }
0x21: {  	v1 =	vld.msk [tilespmem:s18+$0x18010], $0x1;
	_ =	sdelay $0x1  }
0x22: {  	v2 =	vld.msk [tilespmem:s18+$0x18020], $0x1;
	_ =	sdelay $0x1  }
0x23: {  	(v2sf) =	vpush v0, $0x0  }
0x24: {  	(v2sf) =	vpush v1, $0x0;
	_ =	sdelay $0x1  }
0x25: {  	(v2sf) =	vpush v2, $0x0;
	_ =	sdelay $0xb  }
0x26: {  	s31 =	spop (v2sf)  }
0x27: {  	s19 =	spop (v2sf);
	s18 =	sshll.u32 s31, $0xB  }
0x28: {  	s18 =	sshra.s32 s18, $0x2;
	s19 =	sshll.u32 s19, $0xB  }
0x29: {  	s20 =	spop (v2sf);
	v59 =	vld [tilespmem:s18+$0x0];
	s19 =	sshra.s32 s19, $0x2  }
0x2a: {  	s20 =	sshll.u32 s20, $0xB;
	v60 =	vld [tilespmem:s19+$0xB600]  }
0x2b: {  	s20 =	sshra.s32 s20, $0x2  }
0x2c: {  	v61 =	vld [tilespmem:s20+$0x16C00];
	_ =	sdelay $0x2  }
0x2d: {  	v0 =	vadd.f32 v60, v59;
	_ =	sdelay $0x1  }
0x2e: {  	v0 =	vadd.f32 v61, v0;
	_ =	sdelay $0x1  }
0x2f: {  	[tilespmem:s16+$0xFFFFFF00] =	vst v0  }
0x30: {  	v0 =	vld [tilespmem:s18+$0x10]  }
0x31: {  	v62 =	vld [tilespmem:s19+$0xB610];
	_ =	sdelay $0x1  }
0x32: {  	v63 =	vld [tilespmem:s20+$0x16C10];
	_ =	sdelay $0x2  }
0x33: {  	v0 =	vadd.f32 v62, v0;
	_ =	sdelay $0x1  }
0x34: {  	v0 =	vadd.f32 v63, v0;
	_ =	sdelay $0x1  }
0x35: {  	[tilespmem:s16+$0xFFFFFF10] =	vst v0  }
0x36: {  	v0 =	vld [tilespmem:s18+$0x20]  }
0x37: {  	v4 =	vld [tilespmem:s19+$0xB620];
	_ =	sdelay $0x1  }
0x38: {  	v5 =	vld [tilespmem:s20+$0x16C20];
	_ =	sdelay $0x2  }
0x39: {  	v0 =	vadd.f32 v4, v0;
	_ =	sdelay $0x1  }
0x3a: {  	v0 =	vadd.f32 v5, v0;
	_ =	sdelay $0x1  }
0x3b: {  	[tilespmem:s16+$0xFFFFFF20] =	vst v0  }
0x3c: {  	v0 =	vld [tilespmem:s18+$0x30]  }
0x3d: {  	v6 =	vld [tilespmem:s19+$0xB630];
	_ =	sdelay $0x1  }
0x3e: {  	v7 =	vld [tilespmem:s20+$0x16C30];
	_ =	sdelay $0x2  }
0x3f: {  	v0 =	vadd.f32 v6, v0;
	_ =	sdelay $0x1  }
0x40: {  	v0 =	vadd.f32 v7, v0;
	_ =	sdelay $0x1  }
0x41: {  	[tilespmem:s16+$0xFFFFFF30] =	vst v0  }
0x42: {  	v0 =	vld [tilespmem:s18+$0x40]  }
0x43: {  	v8 =	vld [tilespmem:s19+$0xB640];
	_ =	sdelay $0x1  }
0x44: {  	v9 =	vld [tilespmem:s20+$0x16C40];
	_ =	sdelay $0x2  }
0x45: {  	v0 =	vadd.f32 v8, v0;
	_ =	sdelay $0x1  }
0x46: {  	v0 =	vadd.f32 v9, v0;
	_ =	sdelay $0x1  }
0x47: {  	[tilespmem:s16+$0xFFFFFF40] =	vst v0  }
0x48: {  	v0 =	vld [tilespmem:s18+$0x50]  }
0x49: {  	v10 =	vld [tilespmem:s19+$0xB650];
	_ =	sdelay $0x1  }
0x4a: {  	v11 =	vld [tilespmem:s20+$0x16C50];
	_ =	sdelay $0x2  }
0x4b: {  	v0 =	vadd.f32 v10, v0;
	_ =	sdelay $0x1  }
0x4c: {  	v0 =	vadd.f32 v11, v0;
	_ =	sdelay $0x1  }
0x4d: {  	[tilespmem:s16+$0xFFFFFF50] =	vst v0  }
0x4e: {  	v0 =	vld [tilespmem:s18+$0x60]  }
0x4f: {  	v12 =	vld [tilespmem:s19+$0xB660];
	_ =	sdelay $0x1  }
0x50: {  	v13 =	vld [tilespmem:s20+$0x16C60];
	_ =	sdelay $0x2  }
0x51: {  	v0 =	vadd.f32 v12, v0;
	_ =	sdelay $0x1  }
0x52: {  	v0 =	vadd.f32 v13, v0;
	_ =	sdelay $0x1  }
0x53: {  	[tilespmem:s16+$0xFFFFFF60] =	vst v0  }
0x54: {  	v0 =	vld [tilespmem:s18+$0x70]  }
0x55: {  	v14 =	vld [tilespmem:s19+$0xB670];
	_ =	sdelay $0x1  }
0x56: {  	v15 =	vld [tilespmem:s20+$0x16C70];
	_ =	sdelay $0x2  }
0x57: {  	v0 =	vadd.f32 v14, v0;
	_ =	sdelay $0x1  }
0x58: {  	v0 =	vadd.f32 v15, v0;
	_ =	sdelay $0x1  }
0x59: {  	[tilespmem:s16+$0xFFFFFF70] =	vst v0  }
0x5a: {  	v0 =	vld [tilespmem:s18+$0x80]  }
0x5b: {  	v16 =	vld [tilespmem:s19+$0xB680];
	_ =	sdelay $0x1  }
0x5c: {  	v17 =	vld [tilespmem:s20+$0x16C80];
	_ =	sdelay $0x2  }
0x5d: {  	v0 =	vadd.f32 v16, v0;
	_ =	sdelay $0x1  }
0x5e: {  	v0 =	vadd.f32 v17, v0;
	_ =	sdelay $0x1  }
0x5f: {  	[tilespmem:s16+$0xFFFFFF80] =	vst v0  }
0x60: {  	v0 =	vld [tilespmem:s18+$0x90]  }
0x61: {  	v18 =	vld [tilespmem:s19+$0xB690];
	_ =	sdelay $0x1  }
0x62: {  	v19 =	vld [tilespmem:s20+$0x16C90];
	_ =	sdelay $0x2  }
0x63: {  	v0 =	vadd.f32 v18, v0;
	_ =	sdelay $0x1  }
0x64: {  	v0 =	vadd.f32 v19, v0;
	_ =	sdelay $0x1  }
0x65: {  	[tilespmem:s16+$0xFFFFFF90] =	vst v0  }
0x66: {  	v0 =	vld [tilespmem:s18+$0xA0]  }
0x67: {  	v20 =	vld [tilespmem:s19+$0xB6A0];
	_ =	sdelay $0x1  }
0x68: {  	v21 =	vld [tilespmem:s20+$0x16CA0];
	_ =	sdelay $0x2  }
0x69: {  	v0 =	vadd.f32 v20, v0;
	_ =	sdelay $0x1  }
0x6a: {  	v0 =	vadd.f32 v21, v0;
	_ =	sdelay $0x1  }
0x6b: {  	[tilespmem:s16+$0xFFFFFFA0] =	vst v0  }
0x6c: {  	v0 =	vld [tilespmem:s18+$0xB0]  }
0x6d: {  	v22 =	vld [tilespmem:s19+$0xB6B0];
	_ =	sdelay $0x1  }
0x6e: {  	v23 =	vld [tilespmem:s20+$0x16CB0];
	_ =	sdelay $0x2  }
0x6f: {  	v0 =	vadd.f32 v22, v0;
	_ =	sdelay $0x1  }
0x70: {  	v0 =	vadd.f32 v23, v0;
	_ =	sdelay $0x1  }
0x71: {  	[tilespmem:s16+$0xFFFFFFB0] =	vst v0  }
0x72: {  	v0 =	vld [tilespmem:s18+$0xC0]  }
0x73: {  	v24 =	vld [tilespmem:s19+$0xB6C0];
	_ =	sdelay $0x1  }
0x74: {  	v25 =	vld [tilespmem:s20+$0x16CC0];
	_ =	sdelay $0x2  }
0x75: {  	v0 =	vadd.f32 v24, v0;
	_ =	sdelay $0x1  }
0x76: {  	v0 =	vadd.f32 v25, v0;
	_ =	sdelay $0x1  }
0x77: {  	[tilespmem:s16+$0xFFFFFFC0] =	vst v0  }
0x78: {  	v0 =	vld [tilespmem:s18+$0xD0]  }
0x79: {  	v26 =	vld [tilespmem:s19+$0xB6D0];
	_ =	sdelay $0x1  }
0x7a: {  	v27 =	vld [tilespmem:s20+$0x16CD0];
	_ =	sdelay $0x2  }
0x7b: {  	v0 =	vadd.f32 v26, v0;
	_ =	sdelay $0x1  }
0x7c: {  	v0 =	vadd.f32 v27, v0;
	_ =	sdelay $0x1  }
0x7d: {  	[tilespmem:s16+$0xFFFFFFD0] =	vst v0  }
0x7e: {  	v0 =	vld [tilespmem:s18+$0xE0]  }
0x7f: {  	v28 =	vld [tilespmem:s19+$0xB6E0];
	_ =	sdelay $0x1  }
0x80: {  	v29 =	vld [tilespmem:s20+$0x16CE0];
	_ =	sdelay $0x2  }
0x81: {  	v0 =	vadd.f32 v28, v0;
	_ =	sdelay $0x1  }
0x82: {  	v0 =	vadd.f32 v29, v0;
	_ =	sdelay $0x1  }
0x83: {  	[tilespmem:s16+$0xFFFFFFE0] =	vst v0  }
0x84: {  	v0 =	vld [tilespmem:s18+$0xF0]  }
0x85: {  	v30 =	vld [tilespmem:s19+$0xB6F0];
	_ =	sdelay $0x1  }
0x86: {  	v31 =	vld [tilespmem:s20+$0x16CF0];
	_ =	sdelay $0x2  }
0x87: {  	v0 =	vadd.f32 v30, v0;
	_ =	sdelay $0x1  }
0x88: {  	v0 =	vadd.f32 v31, v0;
	_ =	sdelay $0x1  }
0x89: {  	[tilespmem:s16+$0xFFFFFFF0] =	vst v0  }
0x8a: {  	v0 =	vld [tilespmem:s18+$0x100]  }
0x8b: {  	v32 =	vld [tilespmem:s19+$0xB700];
	_ =	sdelay $0x1  }
0x8c: {  	v33 =	vld [tilespmem:s20+$0x16D00];
	_ =	sdelay $0x2  }
0x8d: {  	v0 =	vadd.f32 v32, v0;
	_ =	sdelay $0x1  }
0x8e: {  	v0 =	vadd.f32 v33, v0;
	_ =	sdelay $0x1  }
0x8f: {  	[tilespmem:s16+$0x0] =	vst v0  }
0x90: {  	v0 =	vld [tilespmem:s18+$0x110]  }
0x91: {  	v34 =	vld [tilespmem:s19+$0xB710];
	_ =	sdelay $0x1  }
0x92: {  	v35 =	vld [tilespmem:s20+$0x16D10];
	_ =	sdelay $0x2  }
0x93: {  	v0 =	vadd.f32 v34, v0;
	_ =	sdelay $0x1  }
0x94: {  	v0 =	vadd.f32 v35, v0;
	_ =	sdelay $0x1  }
0x95: {  	[tilespmem:s16+$0x10] =	vst v0  }
0x96: {  	v0 =	vld [tilespmem:s18+$0x120]  }
0x97: {  	v36 =	vld [tilespmem:s19+$0xB720];
	_ =	sdelay $0x1  }
0x98: {  	v37 =	vld [tilespmem:s20+$0x16D20];
	_ =	sdelay $0x2  }
0x99: {  	v0 =	vadd.f32 v36, v0;
	_ =	sdelay $0x1  }
0x9a: {  	v0 =	vadd.f32 v37, v0;
	_ =	sdelay $0x1  }
0x9b: {  	[tilespmem:s16+$0x20] =	vst v0  }
0x9c: {  	v0 =	vld [tilespmem:s18+$0x130]  }
0x9d: {  	v38 =	vld [tilespmem:s19+$0xB730];
	_ =	sdelay $0x1  }
0x9e: {  	v39 =	vld [tilespmem:s20+$0x16D30];
	_ =	sdelay $0x2  }
0x9f: {  	v0 =	vadd.f32 v38, v0;
	_ =	sdelay $0x1  }
0xa0: {  	v0 =	vadd.f32 v39, v0;
	_ =	sdelay $0x1  }
0xa1: {  	[tilespmem:s16+$0x30] =	vst v0  }
0xa2: {  	v0 =	vld [tilespmem:s18+$0x140]  }
0xa3: {  	v40 =	vld [tilespmem:s19+$0xB740];
	_ =	sdelay $0x1  }
0xa4: {  	v41 =	vld [tilespmem:s20+$0x16D40];
	_ =	sdelay $0x2  }
0xa5: {  	v0 =	vadd.f32 v40, v0;
	_ =	sdelay $0x1  }
0xa6: {  	v0 =	vadd.f32 v41, v0;
	_ =	sdelay $0x1  }
0xa7: {  	[tilespmem:s16+$0x40] =	vst v0  }
0xa8: {  	v0 =	vld [tilespmem:s18+$0x150]  }
0xa9: {  	v42 =	vld [tilespmem:s19+$0xB750];
	_ =	sdelay $0x1  }
0xaa: {  	v43 =	vld [tilespmem:s20+$0x16D50];
	_ =	sdelay $0x2  }
0xab: {  	v0 =	vadd.f32 v42, v0;
	_ =	sdelay $0x1  }
0xac: {  	v0 =	vadd.f32 v43, v0;
	_ =	sdelay $0x1  }
0xad: {  	[tilespmem:s16+$0x50] =	vst v0  }
0xae: {  	v0 =	vld [tilespmem:s18+$0x160]  }
0xaf: {  	v44 =	vld [tilespmem:s19+$0xB760];
	_ =	sdelay $0x1  }
0xb0: {  	v45 =	vld [tilespmem:s20+$0x16D60];
	_ =	sdelay $0x2  }
0xb1: {  	v0 =	vadd.f32 v44, v0;
	_ =	sdelay $0x1  }
0xb2: {  	v0 =	vadd.f32 v45, v0;
	_ =	sdelay $0x1  }
0xb3: {  	[tilespmem:s16+$0x60] =	vst v0  }
0xb4: {  	v0 =	vld [tilespmem:s18+$0x170]  }
0xb5: {  	v46 =	vld [tilespmem:s19+$0xB770];
	_ =	sdelay $0x1  }
0xb6: {  	v47 =	vld [tilespmem:s20+$0x16D70];
	_ =	sdelay $0x2  }
0xb7: {  	v0 =	vadd.f32 v46, v0;
	_ =	sdelay $0x1  }
0xb8: {  	v0 =	vadd.f32 v47, v0;
	_ =	sdelay $0x1  }
0xb9: {  	[tilespmem:s16+$0x70] =	vst v0  }
0xba: {  	v0 =	vld [tilespmem:s18+$0x180]  }
0xbb: {  	v48 =	vld [tilespmem:s19+$0xB780];
	_ =	sdelay $0x1  }
0xbc: {  	v49 =	vld [tilespmem:s20+$0x16D80];
	_ =	sdelay $0x2  }
0xbd: {  	v0 =	vadd.f32 v48, v0;
	_ =	sdelay $0x1  }
0xbe: {  	v0 =	vadd.f32 v49, v0;
	_ =	sdelay $0x1  }
0xbf: {  	[tilespmem:s16+$0x80] =	vst v0  }
0xc0: {  	v0 =	vld [tilespmem:s18+$0x190]  }
0xc1: {  	v50 =	vld [tilespmem:s19+$0xB790];
	_ =	sdelay $0x1  }
0xc2: {  	v51 =	vld [tilespmem:s20+$0x16D90];
	_ =	sdelay $0x2  }
0xc3: {  	v0 =	vadd.f32 v50, v0;
	_ =	sdelay $0x1  }
0xc4: {  	v0 =	vadd.f32 v51, v0;
	_ =	sdelay $0x1  }
0xc5: {  	[tilespmem:s16+$0x90] =	vst v0  }
0xc6: {  	v0 =	vld [tilespmem:s18+$0x1A0]  }
0xc7: {  	v52 =	vld [tilespmem:s19+$0xB7A0];
	_ =	sdelay $0x1  }
0xc8: {  	v53 =	vld [tilespmem:s20+$0x16DA0];
	_ =	sdelay $0x2  }
0xc9: {  	v0 =	vadd.f32 v52, v0;
	_ =	sdelay $0x1  }
0xca: {  	v0 =	vadd.f32 v53, v0;
	_ =	sdelay $0x1  }
0xcb: {  	[tilespmem:s16+$0xA0] =	vst v0  }
0xcc: {  	v0 =	vld [tilespmem:s18+$0x1B0]  }
0xcd: {  	v54 =	vld [tilespmem:s19+$0xB7B0];
	_ =	sdelay $0x1  }
0xce: {  	v55 =	vld [tilespmem:s20+$0x16DB0];
	_ =	sdelay $0x2  }
0xcf: {  	v0 =	vadd.f32 v54, v0;
	_ =	sdelay $0x1  }
0xd0: {  	v0 =	vadd.f32 v55, v0;
	_ =	sdelay $0x1  }
0xd1: {  	[tilespmem:s16+$0xB0] =	vst v0  }
0xd2: {  	v0 =	vld [tilespmem:s18+$0x1C0]  }
0xd3: {  	v56 =	vld [tilespmem:s19+$0xB7C0];
	_ =	sdelay $0x1  }
0xd4: {  	v57 =	vld [tilespmem:s20+$0x16DC0];
	_ =	sdelay $0x2  }
0xd5: {  	v0 =	vadd.f32 v56, v0;
	_ =	sdelay $0x1  }
0xd6: {  	v0 =	vadd.f32 v57, v0;
	_ =	sdelay $0x1  }
0xd7: {  	[tilespmem:s16+$0xC0] =	vst v0  }
0xd8: {  	v0 =	vld [tilespmem:s18+$0x1D0]  }
0xd9: {  	v58 =	vld [tilespmem:s19+$0xB7D0];
	_ =	sdelay $0x1  }
0xda: {  	v59 =	vld [tilespmem:s20+$0x16DD0];
	_ =	sdelay $0x2  }
0xdb: {  	v0 =	vadd.f32 v58, v0;
	_ =	sdelay $0x1  }
0xdc: {  	v0 =	vadd.f32 v59, v0;
	_ =	sdelay $0x1  }
0xdd: {  	[tilespmem:s16+$0xD0] =	vst v0  }
0xde: {  	v0 =	vld [tilespmem:s18+$0x1E0]  }
0xdf: {  	v60 =	vld [tilespmem:s19+$0xB7E0];
	_ =	sdelay $0x1  }
0xe0: {  	v61 =	vld [tilespmem:s20+$0x16DE0];
	_ =	sdelay $0x2  }
0xe1: {  	v0 =	vadd.f32 v60, v0;
	_ =	sdelay $0x1  }
0xe2: {  	v0 =	vadd.f32 v61, v0;
	_ =	sdelay $0x1  }
0xe3: {  	[tilespmem:s16+$0xE0] =	vst v0  }
0xe4: {  	v0 =	vld [tilespmem:s18+$0x1F0]  }
0xe5: {  	v62 =	vld [tilespmem:s19+$0xB7F0];
	_ =	sdelay $0x1  }
0xe6: {  	v63 =	vld [tilespmem:s20+$0x16DF0];
	_ =	sdelay $0x1  }
0xe7: {  	p0 =	sne.s32 s17, $0x3C  }
.Ltmp0:
0xe8: {  	v0 =	vadd.f32 v62, v0;
	(pc) =	sbr.rel @p0 .LBB2_2-.Ltmp0, $3  }
0xe9: {  	_ = 	snop  }
0xea: {  	v0 =	vadd.f32 v63, v0;
	_ =	sdelay $0x1  }
0xeb: {  	s17 =	sadd.s32 $0x4, s17;
	[tilespmem:s16+$0xF0] =	vst v0;
	s16 =	sadd.s32 $0x200, s16  }
0xec: {  	s15 =	sadd.s32 $0x1, s15  }
0xed: {  	p0 =	sne.s32 s15, s8  }
.Ltmp1:
0xee: {  	_ = 	snop;
	(pc) =	sbr.rel @p0 .LBB2_1-.Ltmp1, $4  }
0xef: {  	[hbm4b:s7+s2] =	stream.linear.scatter [tilespmem:s13], [sflag:$0x2], $0x2000, $0x38;
	[tilespmem:$0x1A080] =	vst v63  }
0xf0: {  	_ =	swait.ge [sflag:s14], $0x2000  }
0xf1: {  	[sflag:s14] =	ssyncset.done $0x0  }
0xf2: {  	[sflag:s14] =	ssyncadd.s32 $0xFFFFE000  }
0xf3: {  	_ =	sfence.sel $0x180000  }
0xf4: {  	[bflag:$0x0] =	sbarrier.arrive $0xFFFF  }
0xf5: {  	p0 =	sne.s32 s1, $0x0;
	_ =	strace $0x90000047  }
0xf6: {  	s0 =	sadd.s32 @!p0 $0x100000, s0;
	[bflag:$0x2] =	sbarrier.arrive $0xFFFF  }
0xf7: {  	[sflag:s0] =	ssyncadd.tile.s32 @!p0 $0x1;
	_ =	shalt  }
.Lfunc_end2:
_tile_overlayer_lowered:
.L_overlay_start_2:
0xf8: {  	(tag) =	ssettag $0x2  }
0xf9: {  	s0 =	rddreg [dreg:$0x0];
	s2 =	stileid.u32  }
0xfa: {  	s1 =	rddreg [dreg:$0x1];
	p0 =	sne.s32 s2, $0x0  }
0xfb: {  	s3 =	rddreg [dreg:$0x2];
	[bflag:$0x3] =	sbarrier.arrive $0xFFFF;
	s2 =	simm.s32 @!p0 $0x1C02  }
0xfc: {  	[timem:s3], [sflag:s2] =	dma.local @!p0 [hbm:s0], s1  }
0xfd: {  	s0 =	simm.s32 @!p0 $0x2  }
0xfe: {  	_ =	swait.ge @!p0 [sflag:s0], s1  }
0xff: {  	s1 =	ssub.s32 @!p0 $0x0, s1;
	[sflag:s0] =	ssyncset.done @!p0 $0x0  }
0x100: {  	[sflag:s0] =	ssyncadd.s32 @!p0 s1  }
0x101: {  	[bflag:$0x3] =	sbarrier.arrive $0xFFFF  }
0x102: {  	_ =	shalt  }

</sc_bundles>
